<compile_context>
chip_gen: v7x
topology: tpu7x:2x2x1
jax: 0.10.2.dev20260603
libtpu: 0.0.44.dev20260713+nightly
codegen_flags: <defaults>
</compile_context>

<pallas_src>
import functools

import jax
import jax.numpy as jnp
from jax import lax
from jax.experimental import pallas as pl
from jax.experimental.pallas import tpu as pltpu
from jax.experimental.pallas import tpu_sc as plsc

NC, NS, L = 2, 16, 16
NW = NC * NS
NCOL = 26
BATCH = 16384
LOGB = 14
DIM = 64
SEG = 100000
FLAT = BATCH * NCOL
PER_W = FLAT // NW
CH = 832
NCHUNK = PER_W // CH


def _build():
    mesh = plsc.VectorSubcoreMesh(
        core_axis_name="c", subcore_axis_name="s",
        num_cores=NC, num_subcores=NS,
    )

    @functools.partial(
        pl.kernel,
        out_type=jax.ShapeDtypeStruct((FLAT, DIM), jnp.float32),
        mesh=mesh,
        compiler_params=pltpu.CompilerParams(use_tc_tiling_on_sc=False),
        scratch_types=[
            pltpu.VMEM((PER_W,), jnp.int32),
            pltpu.VMEM((2, CH, DIM), jnp.float32),
            pltpu.SemaphoreType.DMA((2,)),
            pltpu.SemaphoreType.DMA((2,)),
        ],
    )
    def k(x_hbm, table_hbm, out_hbm, idx_v, rows, gsem, ssem):
        wid = lax.axis_index("c") * NS + lax.axis_index("s")
        base = wid * PER_W

        pltpu.sync_copy(x_hbm.at[pl.ds(base, PER_W)], idx_v)

        lane = jax.lax.iota(jnp.int32, L)

        @pl.loop(0, PER_W // L)
        def _add_offsets(j):
            sl = pl.ds(j * L, L)
            pos = lane + (base + j * L)
            idx_v[sl] = idx_v[sl] + (pos >> LOGB) * SEG

        def gather(j, b):
            return pltpu.make_async_copy(
                table_hbm.at[idx_v.at[pl.ds(j * CH, CH)]], rows.at[b],
                gsem.at[b])

        def scatter(j, b):
            return pltpu.make_async_copy(
                rows.at[b], out_hbm.at[pl.ds(base + j * CH, CH)], ssem.at[b])

        gather(0, 0).start()
        for j in range(NCHUNK):
            b = j & 1
            gather(j, b).wait()
            if j + 1 < NCHUNK:
                if j >= 1:
                    scatter(j - 1, 1 - b).wait()
                gather(j + 1, 1 - b).start()
            scatter(j, b).start()
        scatter(NCHUNK - 2, (NCHUNK - 2) & 1).wait()
        scatter(NCHUNK - 1, (NCHUNK - 1) & 1).wait()

    return k


_lookup = _build()


def kernel(x_categ, table):
    x_cm = x_categ.astype(jnp.int32).T.reshape(FLAT)
    out = _lookup(x_cm, table)
    return out.reshape(NCOL, BATCH, DIM).transpose(1, 0, 2)

# --- scband reference (transcript-rebuilt; emitter-appended) ---
"""Pipeline reference for scband-categorical-embedding-83820581749473 (READ-ONLY COPY).

The authoritative reference and input builder live on the scoring server;
editing this copy changes nothing except your own understanding.
"""

import jax, jax.numpy as jnp
import numpy as np

CATEGORIES = [100000] * 26
DIM = 64
BATCH = 16384
NUM_UNIQUE = sum(CATEGORIES)

def _offsets():
    c = jnp.asarray(CATEGORIES, dtype=jnp.int32)
    c = jnp.pad(c, (1, 0))
    return jnp.cumsum(c)[:-1]

def setup_inputs(seed: int = 0) -> dict:
    key = jax.random.key(seed)
    k1, k2 = jax.random.split(key)
    x_categ = jax.random.randint(k1, (BATCH, len(CATEGORIES)), 0, 100000, dtype=jnp.int32)
    table = jax.random.normal(k2, (NUM_UNIQUE, DIM), dtype=jnp.float32) * 0.02
    return {"x_categ": x_categ, "table": table}

def reference(x_categ, table):
    offsets = _offsets().astype(x_categ.dtype)
    idx = x_categ + offsets[None, :]
    x_categ_enc = jnp.take(table, idx, axis=0)
    return x_categ_enc

if __name__ == "__main__":
    import jax
    _d = setup_inputs()
    print(jax.jit(kernel)(*tuple(_d.values())))

</pallas_src>

<mosaic_0001>
#map = affine_map<(d0, d1) -> (0)>
#map1 = affine_map<(d0, d1) -> (0, 0)>
module attributes {stable_mosaic.version = 14 : i64} {
  func.func @k(%arg0: i32, %arg1: i32, %arg2: memref<425984xi32, #tpu.memory_space<hbm>>, %arg3: memref<2600000x64xf32, #tpu.memory_space<hbm>>, %arg4: memref<425984x64xf32, #tpu.memory_space<hbm>>, %arg5: memref<13312xi32, #tpu.memory_space<vmem>>, %arg6: memref<2x832x64xf32, #tpu.memory_space<vmem>>, %arg7: memref<2x!tpu.dma_semaphore, #tpu.memory_space<semaphore_mem>>, %arg8: memref<2x!tpu.dma_semaphore, #tpu.memory_space<semaphore_mem>>) attributes {dimension_semantics = [#tpu.dimension_semantics<core_parallel>, #tpu.dimension_semantics<subcore_parallel>], iteration_bounds = array<i64: 2, 16>, scalar_prefetch = 0 : i64, scratch_operands = 4 : i64, tpu.core_type = #tpu.core_type<sc_vector_subcore>, window_params = [{transform_indices = #map}, {transform_indices = #map1}, {transform_indices = #map1}]} {
    %mul3A = arith.constant 16 : i32
    %mul3A_0 = arith.muli %arg0, %mul3A : i32
    %add3A = arith.addi %mul3A_0, %arg1 : i32
    %mul3A_1 = arith.constant 13312 : i32
    %mul3A_2 = arith.muli %add3A, %mul3A_1 : i32
    "tpu.region"() ({
      %run_scoped3A = tpu.sem_alloc : memref<!tpu.dma_semaphore, #tpu.memory_space<semaphore_mem>>
      %dma_start3A_997 = tpu.memref_slice %arg2[%mul3A_2] : memref<425984xi32, #tpu.memory_space<hbm>> -> memref<13312xi32, #tpu.memory_space<hbm>>
      %dma_start3A_998 = tpu.memref_slice %arg2[%mul3A_2] : memref<425984xi32, #tpu.memory_space<hbm>> -> memref<13312xi32, #tpu.memory_space<hbm>>
      tpu.enqueue_dma source(%dma_start3A_998 : memref<13312xi32, #tpu.memory_space<hbm>>) target(%arg5 : memref<13312xi32, #tpu.memory_space<vmem>>) target_semaphore(%run_scoped3A : memref<!tpu.dma_semaphore, #tpu.memory_space<semaphore_mem>>)
      %dma_wait3A_999 = tpu.memref_slice %arg2[%mul3A_2] : memref<425984xi32, #tpu.memory_space<hbm>> -> memref<13312xi32, #tpu.memory_space<hbm>>
      %dma_wait3A_1000 = tpu.memref_slice %arg2[%mul3A_2] : memref<425984xi32, #tpu.memory_space<hbm>> -> memref<13312xi32, #tpu.memory_space<hbm>>
      tpu.wait_dma2 semaphore(%run_scoped3A : memref<!tpu.dma_semaphore, #tpu.memory_space<semaphore_mem>>) src(%dma_wait3A_1000 : memref<13312xi32, #tpu.memory_space<hbm>>) dst(%arg5 : memref<13312xi32, #tpu.memory_space<vmem>>)
      tpu.yield
    }) : () -> ()
    %iota3A = tpu.iota {dimensions = array<i32: 0>} : vector<16xi32>
    %scan3A = arith.constant 0 : i32
    %scan3A_3 = arith.constant 832 : i32
    %scan3A_4 = arith.addi %scan3A, %scan3A_3 : i32
    %scan3A_5 = arith.constant 1 : i32
    scf.for %scan3A_997 = %scan3A to %scan3A_4 step %scan3A_5  : i32 {
      %mul3A_998 = arith.constant 1 : i32
      %mul3A_999 = arith.muli %scan3A_997, %mul3A_998 : i32
      %add3A_1000 = arith.constant 0 : i32
      %add3A_1001 = arith.addi %add3A_1000, %mul3A_999 : i32
      %mul3A_1002 = arith.constant 16 : i32
      %mul3A_1003 = arith.muli %add3A_1001, %mul3A_1002 : i32
      %mul3A_1004 = arith.constant 16 : i32
      %mul3A_1005 = arith.muli %add3A_1001, %mul3A_1004 : i32
      %add3A_1006 = arith.addi %mul3A_2, %mul3A_1005 : i32
      %add3A_1007 = vector.broadcast %add3A_1006 : i32 to vector<16xi32>
      %add3A_1008 = arith.addi %iota3A, %add3A_1007 : vector<16xi32>
      %get3A = arith.index_cast %mul3A_1003 : i32 to index
      %get3A_1009 = tpu.vector_load %arg5[%get3A] {strides = array<i32>} : memref<13312xi32, #tpu.memory_space<vmem>>, vector<16xi32>,
      %get3A_1010 = vector.shape_cast %get3A_1009 : vector<16xi32> to vector<16xi32>
      %shift_right_arithmetic3A = arith.constant 14 : i32
      %shift_right_arithmetic3A_1011 = vector.broadcast %shift_right_arithmetic3A : i32 to vector<16xi32>
      %shift_right_arithmetic3A_1012 = arith.shrsi %add3A_1008, %shift_right_arithmetic3A_1011 : vector<16xi32>
      %mul3A_1013 = arith.constant 100000 : i32
      %mul3A_1014 = vector.broadcast %mul3A_1013 : i32 to vector<16xi32>
      %mul3A_1015 = arith.muli %shift_right_arithmetic3A_1012, %mul3A_1014 : vector<16xi32>
      %add3A_1016 = arith.addi %get3A_1010, %mul3A_1015 : vector<16xi32>
      %swap3A = arith.index_cast %mul3A_1003 : i32 to index
      %swap3A_1017 = tpu.vector_load %arg5[%swap3A] {strides = array<i32>} : memref<13312xi32, #tpu.memory_space<vmem>>, vector<16xi32>,
      %swap3A_1018 = vector.shape_cast %swap3A_1017 : vector<16xi32> to vector<16xi32>
      %swap3A_1019 = vector.shape_cast %add3A_1016 : vector<16xi32> to vector<16xi32>
      tpu.vector_store %arg5[%swap3A], %swap3A_1019 {strides = array<i32>} : memref<13312xi32, #tpu.memory_space<vmem>>, vector<16xi32>,
    }
    %scan3A_6 = arith.constant 832 : i32
    %dma_start3A = arith.constant 0 : i32
    %dma_start3A_7 = arith.constant 0 : i32
    %dma_start3A_8 = arith.constant 0 : i32
    %dma_start3A_9 = arith.constant 0 : i32
    %dma_start3A_10 = tpu.memref_slice %arg6[%dma_start3A, %dma_start3A_8, %dma_start3A_9] : memref<2x832x64xf32, #tpu.memory_space<vmem>> -> memref<1x832x64xf32, #tpu.memory_space<vmem>>
    %dma_start3A_11 = tpu.memref_squeeze %dma_start3A_10 : memref<1x832x64xf32, #tpu.memory_space<vmem>> -> memref<832x64xf32, #tpu.memory_space<vmem>>
    %dma_start3A_12 = arith.constant 0 : i32
    %dma_start3A_13 = tpu.memref_slice %arg5[%dma_start3A_12] : memref<13312xi32, #tpu.memory_space<vmem>> -> memref<832xi32, #tpu.memory_space<vmem>>
    %dma_start3A_14 = arith.constant 0 : i32
    %dma_start3A_15 = arith.constant 0 : i32
    %dma_start3A_16 = tpu.memref_slice %arg3[%dma_start3A_14, %dma_start3A_15] : memref<2600000x64xf32, #tpu.memory_space<hbm>> -> memref<2600000x64xf32, #tpu.memory_space<hbm>>
    %dma_start3A_17 = tpu.memref_slice %arg7[%dma_start3A_7] : memref<2x!tpu.dma_semaphore, #tpu.memory_space<semaphore_mem>> -> memref<1x!tpu.dma_semaphore, #tpu.memory_space<semaphore_mem>>
    %dma_start3A_18 = tpu.memref_squeeze %dma_start3A_17 : memref<1x!tpu.dma_semaphore, #tpu.memory_space<semaphore_mem>> -> memref<!tpu.dma_semaphore, #tpu.memory_space<semaphore_mem>>
    tpu.enqueue_indirect_dma source(%dma_start3A_16 : memref<2600000x64xf32, #tpu.memory_space<hbm>>) target(%dma_start3A_11 : memref<832x64xf32, #tpu.memory_space<vmem>>) offsets(%dma_start3A_13 : memref<832xi32, #tpu.memory_space<vmem>>) semaphore(%dma_start3A_18 : memref<!tpu.dma_semaphore, #tpu.memory_space<semaphore_mem>>)
    %dma_wait3A = arith.constant 0 : i32
    %dma_wait3A_19 = arith.constant 0 : i32
    %dma_wait3A_20 = arith.constant 0 : i32
    %dma_wait3A_21 = arith.constant 0 : i32
    %dma_wait3A_22 = tpu.memref_slice %arg6[%dma_wait3A, %dma_wait3A_20, %dma_wait3A_21] : memref<2x832x64xf32, #tpu.memory_space<vmem>> -> memref<1x832x64xf32, #tpu.memory_space<vmem>>
    %dma_wait3A_23 = tpu.memref_squeeze %dma_wait3A_22 : memref<1x832x64xf32, #tpu.memory_space<vmem>> -> memref<832x64xf32, #tpu.memory_space<vmem>>
    %dma_wait3A_24 = arith.constant 0 : i32
    %dma_wait3A_25 = tpu.memref_slice %arg5[%dma_wait3A_24] : memref<13312xi32, #tpu.memory_space<vmem>> -> memref<832xi32, #tpu.memory_space<vmem>>
    %dma_wait3A_26 = arith.constant 0 : i32
    %dma_wait3A_27 = arith.constant 0 : i32
    %dma_wait3A_28 = tpu.memref_slice %arg3[%dma_wait3A_26, %dma_wait3A_27] : memref<2600000x64xf32, #tpu.memory_space<hbm>> -> memref<2600000x64xf32, #tpu.memory_space<hbm>>
    %dma_wait3A_29 = tpu.memref_slice %arg7[%dma_wait3A_19] : memref<2x!tpu.dma_semaphore, #tpu.memory_space<semaphore_mem>> -> memref<1x!tpu.dma_semaphore, #tpu.memory_space<semaphore_mem>>
    %dma_wait3A_30 = tpu.memref_squeeze %dma_wait3A_29 : memref<1x!tpu.dma_semaphore, #tpu.memory_space<semaphore_mem>> -> memref<!tpu.dma_semaphore, #tpu.memory_space<semaphore_mem>>
    tpu.wait_indirect_dma semaphore(%dma_wait3A_30 : memref<!tpu.dma_semaphore, #tpu.memory_space<semaphore_mem>>) src(%dma_wait3A_28 : memref<2600000x64xf32, #tpu.memory_space<hbm>>) dst(%dma_wait3A_23 : memref<832x64xf32, #tpu.memory_space<vmem>>)
    %dma_start3A_31 = arith.constant 1 : i32
    %dma_start3A_32 = arith.constant 1 : i32
    %dma_start3A_33 = arith.constant 0 : i32
    %dma_start3A_34 = arith.constant 0 : i32
    %dma_start3A_35 = tpu.memref_slice %arg6[%dma_start3A_31, %dma_start3A_33, %dma_start3A_34] : memref<2x832x64xf32, #tpu.memory_space<vmem>> -> memref<1x832x64xf32, #tpu.memory_space<vmem>>
    %dma_start3A_36 = tpu.memref_squeeze %dma_start3A_35 : memref<1x832x64xf32, #tpu.memory_space<vmem>> -> memref<832x64xf32, #tpu.memory_space<vmem>>
    %dma_start3A_37 = arith.constant 832 : i32
    %dma_start3A_38 = tpu.memref_slice %arg5[%dma_start3A_37] : memref<13312xi32, #tpu.memory_space<vmem>> -> memref<832xi32, #tpu.memory_space<vmem>>
    %dma_start3A_39 = arith.constant 0 : i32
    %dma_start3A_40 = arith.constant 0 : i32
    %dma_start3A_41 = tpu.memref_slice %arg3[%dma_start3A_39, %dma_start3A_40] : memref<2600000x64xf32, #tpu.memory_space<hbm>> -> memref<2600000x64xf32, #tpu.memory_space<hbm>>
    %dma_start3A_42 = tpu.memref_slice %arg7[%dma_start3A_32] : memref<2x!tpu.dma_semaphore, #tpu.memory_space<semaphore_mem>> -> memref<1x!tpu.dma_semaphore, #tpu.memory_space<semaphore_mem>>
    %dma_start3A_43 = tpu.memref_squeeze %dma_start3A_42 : memref<1x!tpu.dma_semaphore, #tpu.memory_space<semaphore_mem>> -> memref<!tpu.dma_semaphore, #tpu.memory_space<semaphore_mem>>
    tpu.enqueue_indirect_dma source(%dma_start3A_41 : memref<2600000x64xf32, #tpu.memory_space<hbm>>) target(%dma_start3A_36 : memref<832x64xf32, #tpu.memory_space<vmem>>) offsets(%dma_start3A_38 : memref<832xi32, #tpu.memory_space<vmem>>) semaphore(%dma_start3A_43 : memref<!tpu.dma_semaphore, #tpu.memory_space<semaphore_mem>>)
    %add3A_44 = arith.constant 0 : i32
    %add3A_45 = arith.addi %mul3A_2, %add3A_44 : i32
    %dma_start3A_46 = arith.constant 0 : i32
    %dma_start3A_47 = arith.constant 0 : i32
    %dma_start3A_48 = arith.constant 0 : i32
    %dma_start3A_49 = arith.constant 0 : i32
    %dma_start3A_50 = tpu.memref_slice %arg6[%dma_start3A_46, %dma_start3A_48, %dma_start3A_49] : memref<2x832x64xf32, #tpu.memory_space<vmem>> -> memref<1x832x64xf32, #tpu.memory_space<vmem>>
    %dma_start3A_51 = tpu.memref_squeeze %dma_start3A_50 : memref<1x832x64xf32, #tpu.memory_space<vmem>> -> memref<832x64xf32, #tpu.memory_space<vmem>>
    %dma_start3A_52 = arith.constant 0 : i32
    %dma_start3A_53 = tpu.memref_slice %arg4[%add3A_45, %dma_start3A_52] : memref<425984x64xf32, #tpu.memory_space<hbm>> -> memref<832x64xf32, #tpu.memory_space<hbm>>
    %dma_start3A_54 = tpu.memref_slice %arg8[%dma_start3A_47] : memref<2x!tpu.dma_semaphore, #tpu.memory_space<semaphore_mem>> -> memref<1x!tpu.dma_semaphore, #tpu.memory_space<semaphore_mem>>
    %dma_start3A_55 = tpu.memref_squeeze %dma_start3A_54 : memref<1x!tpu.dma_semaphore, #tpu.memory_space<semaphore_mem>> -> memref<!tpu.dma_semaphore, #tpu.memory_space<semaphore_mem>>
    %dma_start3A_56 = arith.constant 0 : i32
    %dma_start3A_57 = tpu.memref_slice %arg4[%add3A_45, %dma_start3A_56] : memref<425984x64xf32, #tpu.memory_space<hbm>> -> memref<832x64xf32, #tpu.memory_space<hbm>>
    %dma_start3A_58 = arith.constant 0 : i32
    %dma_start3A_59 = arith.constant 0 : i32
    %dma_start3A_60 = tpu.memref_slice %arg6[%dma_start3A_46, %dma_start3A_58, %dma_start3A_59] : memref<2x832x64xf32, #tpu.memory_space<vmem>> -> memref<1x832x64xf32, #tpu.memory_space<vmem>>
    %dma_start3A_61 = tpu.memref_squeeze %dma_start3A_60 : memref<1x832x64xf32, #tpu.memory_space<vmem>> -> memref<832x64xf32, #tpu.memory_space<vmem>>
    tpu.enqueue_dma source(%dma_start3A_61 : memref<832x64xf32, #tpu.memory_space<vmem>>) target(%dma_start3A_57 : memref<832x64xf32, #tpu.memory_space<hbm>>) target_semaphore(%dma_start3A_55 : memref<!tpu.dma_semaphore, #tpu.memory_space<semaphore_mem>>)
    %dma_wait3A_62 = arith.constant 1 : i32
    %dma_wait3A_63 = arith.constant 1 : i32
    %dma_wait3A_64 = arith.constant 0 : i32
    %dma_wait3A_65 = arith.constant 0 : i32
    %dma_wait3A_66 = tpu.memref_slice %arg6[%dma_wait3A_62, %dma_wait3A_64, %dma_wait3A_65] : memref<2x832x64xf32, #tpu.memory_space<vmem>> -> memref<1x832x64xf32, #tpu.memory_space<vmem>>
    %dma_wait3A_67 = tpu.memref_squeeze %dma_wait3A_66 : memref<1x832x64xf32, #tpu.memory_space<vmem>> -> memref<832x64xf32, #tpu.memory_space<vmem>>
    %dma_wait3A_68 = arith.constant 832 : i32
    %dma_wait3A_69 = tpu.memref_slice %arg5[%dma_wait3A_68] : memref<13312xi32, #tpu.memory_space<vmem>> -> memref<832xi32, #tpu.memory_space<vmem>>
    %dma_wait3A_70 = arith.constant 0 : i32
    %dma_wait3A_71 = arith.constant 0 : i32
    %dma_wait3A_72 = tpu.memref_slice %arg3[%dma_wait3A_70, %dma_wait3A_71] : memref<2600000x64xf32, #tpu.memory_space<hbm>> -> memref<2600000x64xf32, #tpu.memory_space<hbm>>
    %dma_wait3A_73 = tpu.memref_slice %arg7[%dma_wait3A_63] : memref<2x!tpu.dma_semaphore, #tpu.memory_space<semaphore_mem>> -> memref<1x!tpu.dma_semaphore, #tpu.memory_space<semaphore_mem>>
    %dma_wait3A_74 = tpu.memref_squeeze %dma_wait3A_73 : memref<1x!tpu.dma_semaphore, #tpu.memory_space<semaphore_mem>> -> memref<!tpu.dma_semaphore, #tpu.memory_space<semaphore_mem>>
    tpu.wait_indirect_dma semaphore(%dma_wait3A_74 : memref<!tpu.dma_semaphore, #tpu.memory_space<semaphore_mem>>) src(%dma_wait3A_72 : memref<2600000x64xf32, #tpu.memory_space<hbm>>) dst(%dma_wait3A_67 : memref<832x64xf32, #tpu.memory_space<vmem>>)
    %add3A_75 = arith.constant 0 : i32
    %add3A_76 = arith.addi %mul3A_2, %add3A_75 : i32
    %dma_wait3A_77 = arith.constant 0 : i32
    %dma_wait3A_78 = arith.constant 0 : i32
    %dma_wait3A_79 = arith.constant 0 : i32
    %dma_wait3A_80 = arith.constant 0 : i32
    %dma_wait3A_81 = tpu.memref_slice %arg6[%dma_wait3A_77, %dma_wait3A_79, %dma_wait3A_80] : memref<2x832x64xf32, #tpu.memory_space<vmem>> -> memref<1x832x64xf32, #tpu.memory_space<vmem>>
    %dma_wait3A_82 = tpu.memref_squeeze %dma_wait3A_81 : memref<1x832x64xf32, #tpu.memory_space<vmem>> -> memref<832x64xf32, #tpu.memory_space<vmem>>
    %dma_wait3A_83 = arith.constant 0 : i32
    %dma_wait3A_84 = tpu.memref_slice %arg4[%add3A_76, %dma_wait3A_83] : memref<425984x64xf32, #tpu.memory_space<hbm>> -> memref<832x64xf32, #tpu.memory_space<hbm>>
    %dma_wait3A_85 = tpu.memref_slice %arg8[%dma_wait3A_78] : memref<2x!tpu.dma_semaphore, #tpu.memory_space<semaphore_mem>> -> memref<1x!tpu.dma_semaphore, #tpu.memory_space<semaphore_mem>>
    %dma_wait3A_86 = tpu.memref_squeeze %dma_wait3A_85 : memref<1x!tpu.dma_semaphore, #tpu.memory_space<semaphore_mem>> -> memref<!tpu.dma_semaphore, #tpu.memory_space<semaphore_mem>>
    %dma_wait3A_87 = arith.constant 0 : i32
    %dma_wait3A_88 = tpu.memref_slice %arg4[%add3A_76, %dma_wait3A_87] : memref<425984x64xf32, #tpu.memory_space<hbm>> -> memref<832x64xf32, #tpu.memory_space<hbm>>
    %dma_wait3A_89 = arith.constant 0 : i32
    %dma_wait3A_90 = arith.constant 0 : i32
    %dma_wait3A_91 = tpu.memref_slice %arg6[%dma_wait3A_77, %dma_wait3A_89, %dma_wait3A_90] : memref<2x832x64xf32, #tpu.memory_space<vmem>> -> memref<1x832x64xf32, #tpu.memory_space<vmem>>
    %dma_wait3A_92 = tpu.memref_squeeze %dma_wait3A_91 : memref<1x832x64xf32, #tpu.memory_space<vmem>> -> memref<832x64xf32, #tpu.memory_space<vmem>>
    tpu.wait_dma2 semaphore(%dma_wait3A_86 : memref<!tpu.dma_semaphore, #tpu.memory_space<semaphore_mem>>) src(%dma_wait3A_92 : memref<832x64xf32, #tpu.memory_space<vmem>>) dst(%dma_wait3A_88 : memref<832x64xf32, #tpu.memory_space<hbm>>)
    %dma_start3A_93 = arith.constant 0 : i32
    %dma_start3A_94 = arith.constant 0 : i32
    %dma_start3A_95 = arith.constant 0 : i32
    %dma_start3A_96 = arith.constant 0 : i32
    %dma_start3A_97 = tpu.memref_slice %arg6[%dma_start3A_93, %dma_start3A_95, %dma_start3A_96] : memref<2x832x64xf32, #tpu.memory_space<vmem>> -> memref<1x832x64xf32, #tpu.memory_space<vmem>>
    %dma_start3A_98 = tpu.memref_squeeze %dma_start3A_97 : memref<1x832x64xf32, #tpu.memory_space<vmem>> -> memref<832x64xf32, #tpu.memory_space<vmem>>
    %dma_start3A_99 = arith.constant 1664 : i32
    %dma_start3A_100 = tpu.memref_slice %arg5[%dma_start3A_99] : memref<13312xi32, #tpu.memory_space<vmem>> -> memref<832xi32, #tpu.memory_space<vmem>>
    %dma_start3A_101 = arith.constant 0 : i32
    %dma_start3A_102 = arith.constant 0 : i32
    %dma_start3A_103 = tpu.memref_slice %arg3[%dma_start3A_101, %dma_start3A_102] : memref<2600000x64xf32, #tpu.memory_space<hbm>> -> memref<2600000x64xf32, #tpu.memory_space<hbm>>
    %dma_start3A_104 = tpu.memref_slice %arg7[%dma_start3A_94] : memref<2x!tpu.dma_semaphore, #tpu.memory_space<semaphore_mem>> -> memref<1x!tpu.dma_semaphore, #tpu.memory_space<semaphore_mem>>
    %dma_start3A_105 = tpu.memref_squeeze %dma_start3A_104 : memref<1x!tpu.dma_semaphore, #tpu.memory_space<semaphore_mem>> -> memref<!tpu.dma_semaphore, #tpu.memory_space<semaphore_mem>>
    tpu.enqueue_indirect_dma source(%dma_start3A_103 : memref<2600000x64xf32, #tpu.memory_space<hbm>>) target(%dma_start3A_98 : memref<832x64xf32, #tpu.memory_space<vmem>>) offsets(%dma_start3A_100 : memref<832xi32, #tpu.memory_space<vmem>>) semaphore(%dma_start3A_105 : memref<!tpu.dma_semaphore, #tpu.memory_space<semaphore_mem>>)
    %add3A_106 = arith.constant 832 : i32
    %add3A_107 = arith.addi %mul3A_2, %add3A_106 : i32
    %dma_start3A_108 = arith.constant 1 : i32
    %dma_start3A_109 = arith.constant 1 : i32
    %dma_start3A_110 = arith.constant 0 : i32
    %dma_start3A_111 = arith.constant 0 : i32
    %dma_start3A_112 = tpu.memref_slice %arg6[%dma_start3A_108, %dma_start3A_110, %dma_start3A_111] : memref<2x832x64xf32, #tpu.memory_space<vmem>> -> memref<1x832x64xf32, #tpu.memory_space<vmem>>
    %dma_start3A_113 = tpu.memref_squeeze %dma_start3A_112 : memref<1x832x64xf32, #tpu.memory_space<vmem>> -> memref<832x64xf32, #tpu.memory_space<vmem>>
    %dma_start3A_114 = arith.constant 0 : i32
    %dma_start3A_115 = tpu.memref_slice %arg4[%add3A_107, %dma_start3A_114] : memref<425984x64xf32, #tpu.memory_space<hbm>> -> memref<832x64xf32, #tpu.memory_space<hbm>>
    %dma_start3A_116 = tpu.memref_slice %arg8[%dma_start3A_109] : memref<2x!tpu.dma_semaphore, #tpu.memory_space<semaphore_mem>> -> memref<1x!tpu.dma_semaphore, #tpu.memory_space<semaphore_mem>>
    %dma_start3A_117 = tpu.memref_squeeze %dma_start3A_116 : memref<1x!tpu.dma_semaphore, #tpu.memory_space<semaphore_mem>> -> memref<!tpu.dma_semaphore, #tpu.memory_space<semaphore_mem>>
    %dma_start3A_118 = arith.constant 0 : i32
    %dma_start3A_119 = tpu.memref_slice %arg4[%add3A_107, %dma_start3A_118] : memref<425984x64xf32, #tpu.memory_space<hbm>> -> memref<832x64xf32, #tpu.memory_space<hbm>>
    %dma_start3A_120 = arith.constant 0 : i32
    %dma_start3A_121 = arith.constant 0 : i32
    %dma_start3A_122 = tpu.memref_slice %arg6[%dma_start3A_108, %dma_start3A_120, %dma_start3A_121] : memref<2x832x64xf32, #tpu.memory_space<vmem>> -> memref<1x832x64xf32, #tpu.memory_space<vmem>>
    %dma_start3A_123 = tpu.memref_squeeze %dma_start3A_122 : memref<1x832x64xf32, #tpu.memory_space<vmem>> -> memref<832x64xf32, #tpu.memory_space<vmem>>
    tpu.enqueue_dma source(%dma_start3A_123 : memref<832x64xf32, #tpu.memory_space<vmem>>) target(%dma_start3A_119 : memref<832x64xf32, #tpu.memory_space<hbm>>) target_semaphore(%dma_start3A_117 : memref<!tpu.dma_semaphore, #tpu.memory_space<semaphore_mem>>)
    %dma_wait3A_124 = arith.constant 0 : i32
    %dma_wait3A_125 = arith.constant 0 : i32
    %dma_wait3A_126 = arith.constant 0 : i32
    %dma_wait3A_127 = arith.constant 0 : i32
    %dma_wait3A_128 = tpu.memref_slice %arg6[%dma_wait3A_124, %dma_wait3A_126, %dma_wait3A_127] : memref<2x832x64xf32, #tpu.memory_space<vmem>> -> memref<1x832x64xf32, #tpu.memory_space<vmem>>
    %dma_wait3A_129 = tpu.memref_squeeze %dma_wait3A_128 : memref<1x832x64xf32, #tpu.memory_space<vmem>> -> memref<832x64xf32, #tpu.memory_space<vmem>>
    %dma_wait3A_130 = arith.constant 1664 : i32
    %dma_wait3A_131 = tpu.memref_slice %arg5[%dma_wait3A_130] : memref<13312xi32, #tpu.memory_space<vmem>> -> memref<832xi32, #tpu.memory_space<vmem>>
    %dma_wait3A_132 = arith.constant 0 : i32
    %dma_wait3A_133 = arith.constant 0 : i32
    %dma_wait3A_134 = tpu.memref_slice %arg3[%dma_wait3A_132, %dma_wait3A_133] : memref<2600000x64xf32, #tpu.memory_space<hbm>> -> memref<2600000x64xf32, #tpu.memory_space<hbm>>
    %dma_wait3A_135 = tpu.memref_slice %arg7[%dma_wait3A_125] : memref<2x!tpu.dma_semaphore, #tpu.memory_space<semaphore_mem>> -> memref<1x!tpu.dma_semaphore, #tpu.memory_space<semaphore_mem>>
    %dma_wait3A_136 = tpu.memref_squeeze %dma_wait3A_135 : memref<1x!tpu.dma_semaphore, #tpu.memory_space<semaphore_mem>> -> memref<!tpu.dma_semaphore, #tpu.memory_space<semaphore_mem>>
    tpu.wait_indirect_dma semaphore(%dma_wait3A_136 : memref<!tpu.dma_semaphore, #tpu.memory_space<semaphore_mem>>) src(%dma_wait3A_134 : memref<2600000x64xf32, #tpu.memory_space<hbm>>) dst(%dma_wait3A_129 : memref<832x64xf32, #tpu.memory_space<vmem>>)
    %add3A_137 = arith.constant 832 : i32
    %add3A_138 = arith.addi %mul3A_2, %add3A_137 : i32
    %dma_wait3A_139 = arith.constant 1 : i32
    %dma_wait3A_140 = arith.constant 1 : i32
    %dma_wait3A_141 = arith.constant 0 : i32
    %dma_wait3A_142 = arith.constant 0 : i32
    %dma_wait3A_143 = tpu.memref_slice %arg6[%dma_wait3A_139, %dma_wait3A_141, %dma_wait3A_142] : memref<2x832x64xf32, #tpu.memory_space<vmem>> -> memref<1x832x64xf32, #tpu.memory_space<vmem>>
    %dma_wait3A_144 = tpu.memref_squeeze %dma_wait3A_143 : memref<1x832x64xf32, #tpu.memory_space<vmem>> -> memref<832x64xf32, #tpu.memory_space<vmem>>
    %dma_wait3A_145 = arith.constant 0 : i32
    %dma_wait3A_146 = tpu.memref_slice %arg4[%add3A_138, %dma_wait3A_145] : memref<425984x64xf32, #tpu.memory_space<hbm>> -> memref<832x64xf32, #tpu.memory_space<hbm>>
    %dma_wait3A_147 = tpu.memref_slice %arg8[%dma_wait3A_140] : memref<2x!tpu.dma_semaphore, #tpu.memory_space<semaphore_mem>> -> memref<1x!tpu.dma_semaphore, #tpu.memory_space<semaphore_mem>>
    %dma_wait3A_148 = tpu.memref_squeeze %dma_wait3A_147 : memref<1x!tpu.dma_semaphore, #tpu.memory_space<semaphore_mem>> -> memref<!tpu.dma_semaphore, #tpu.memory_space<semaphore_mem>>
    %dma_wait3A_149 = arith.constant 0 : i32
    %dma_wait3A_150 = tpu.memref_slice %arg4[%add3A_138, %dma_wait3A_149] : memref<425984x64xf32, #tpu.memory_space<hbm>> -> memref<832x64xf32, #tpu.memory_space<hbm>>
    %dma_wait3A_151 = arith.constant 0 : i32
    %dma_wait3A_152 = arith.constant 0 : i32
    %dma_wait3A_153 = tpu.memref_slice %arg6[%dma_wait3A_139, %dma_wait3A_151, %dma_wait3A_152] : memref<2x832x64xf32, #tpu.memory_space<vmem>> -> memref<1x832x64xf32, #tpu.memory_space<vmem>>
    %dma_wait3A_154 = tpu.memref_squeeze %dma_wait3A_153 : memref<1x832x64xf32, #tpu.memory_space<vmem>> -> memref<832x64xf32, #tpu.memory_space<vmem>>
    tpu.wait_dma2 semaphore(%dma_wait3A_148 : memref<!tpu.dma_semaphore, #tpu.memory_space<semaphore_mem>>) src(%dma_wait3A_154 : memref<832x64xf32, #tpu.memory_space<vmem>>) dst(%dma_wait3A_150 : memref<832x64xf32, #tpu.memory_space<hbm>>)
    %dma_start3A_155 = arith.constant 1 : i32
    %dma_start3A_156 = arith.constant 1 : i32
    %dma_start3A_157 = arith.constant 0 : i32
    %dma_start3A_158 = arith.constant 0 : i32
    %dma_start3A_159 = tpu.memref_slice %arg6[%dma_start3A_155, %dma_start3A_157, %dma_start3A_158] : memref<2x832x64xf32, #tpu.memory_space<vmem>> -> memref<1x832x64xf32, #tpu.memory_space<vmem>>
    %dma_start3A_160 = tpu.memref_squeeze %dma_start3A_159 : memref<1x832x64xf32, #tpu.memory_space<vmem>> -> memref<832x64xf32, #tpu.memory_space<vmem>>
    %dma_start3A_161 = arith.constant 2496 : i32
    %dma_start3A_162 = tpu.memref_slice %arg5[%dma_start3A_161] : memref<13312xi32, #tpu.memory_space<vmem>> -> memref<832xi32, #tpu.memory_space<vmem>>
    %dma_start3A_163 = arith.constant 0 : i32
    %dma_start3A_164 = arith.constant 0 : i32
    %dma_start3A_165 = tpu.memref_slice %arg3[%dma_start3A_163, %dma_start3A_164] : memref<2600000x64xf32, #tpu.memory_space<hbm>> -> memref<2600000x64xf32, #tpu.memory_space<hbm>>
    %dma_start3A_166 = tpu.memref_slice %arg7[%dma_start3A_156] : memref<2x!tpu.dma_semaphore, #tpu.memory_space<semaphore_mem>> -> memref<1x!tpu.dma_semaphore, #tpu.memory_space<semaphore_mem>>
    %dma_start3A_167 = tpu.memref_squeeze %dma_start3A_166 : memref<1x!tpu.dma_semaphore, #tpu.memory_space<semaphore_mem>> -> memref<!tpu.dma_semaphore, #tpu.memory_space<semaphore_mem>>
    tpu.enqueue_indirect_dma source(%dma_start3A_165 : memref<2600000x64xf32, #tpu.memory_space<hbm>>) target(%dma_start3A_160 : memref<832x64xf32, #tpu.memory_space<vmem>>) offsets(%dma_start3A_162 : memref<832xi32, #tpu.memory_space<vmem>>) semaphore(%dma_start3A_167 : memref<!tpu.dma_semaphore, #tpu.memory_space<semaphore_mem>>)
    %add3A_168 = arith.constant 1664 : i32
    %add3A_169 = arith.addi %mul3A_2, %add3A_168 : i32
    %dma_start3A_170 = arith.constant 0 : i32
    %dma_start3A_171 = arith.constant 0 : i32
    %dma_start3A_172 = arith.constant 0 : i32
    %dma_start3A_173 = arith.constant 0 : i32
    %dma_start3A_174 = tpu.memref_slice %arg6[%dma_start3A_170, %dma_start3A_172, %dma_start3A_173] : memref<2x832x64xf32, #tpu.memory_space<vmem>> -> memref<1x832x64xf32, #tpu.memory_space<vmem>>
    %dma_start3A_175 = tpu.memref_squeeze %dma_start3A_174 : memref<1x832x64xf32, #tpu.memory_space<vmem>> -> memref<832x64xf32, #tpu.memory_space<vmem>>
    %dma_start3A_176 = arith.constant 0 : i32
    %dma_start3A_177 = tpu.memref_slice %arg4[%add3A_169, %dma_start3A_176] : memref<425984x64xf32, #tpu.memory_space<hbm>> -> memref<832x64xf32, #tpu.memory_space<hbm>>
    %dma_start3A_178 = tpu.memref_slice %arg8[%dma_start3A_171] : memref<2x!tpu.dma_semaphore, #tpu.memory_space<semaphore_mem>> -> memref<1x!tpu.dma_semaphore, #tpu.memory_space<semaphore_mem>>
    %dma_start3A_179 = tpu.memref_squeeze %dma_start3A_178 : memref<1x!tpu.dma_semaphore, #tpu.memory_space<semaphore_mem>> -> memref<!tpu.dma_semaphore, #tpu.memory_space<semaphore_mem>>
    %dma_start3A_180 = arith.constant 0 : i32
    %dma_start3A_181 = tpu.memref_slice %arg4[%add3A_169, %dma_start3A_180] : memref<425984x64xf32, #tpu.memory_space<hbm>> -> memref<832x64xf32, #tpu.memory_space<hbm>>
    %dma_start3A_182 = arith.constant 0 : i32
    %dma_start3A_183 = arith.constant 0 : i32
    %dma_start3A_184 = tpu.memref_slice %arg6[%dma_start3A_170, %dma_start3A_182, %dma_start3A_183] : memref<2x832x64xf32, #tpu.memory_space<vmem>> -> memref<1x832x64xf32, #tpu.memory_space<vmem>>
    %dma_start3A_185 = tpu.memref_squeeze %dma_start3A_184 : memref<1x832x64xf32, #tpu.memory_space<vmem>> -> memref<832x64xf32, #tpu.memory_space<vmem>>
    tpu.enqueue_dma source(%dma_start3A_185 : memref<832x64xf32, #tpu.memory_space<vmem>>) target(%dma_start3A_181 : memref<832x64xf32, #tpu.memory_space<hbm>>) target_semaphore(%dma_start3A_179 : memref<!tpu.dma_semaphore, #tpu.memory_space<semaphore_mem>>)
    %dma_wait3A_186 = arith.constant 1 : i32
    %dma_wait3A_187 = arith.constant 1 : i32
    %dma_wait3A_188 = arith.constant 0 : i32
    %dma_wait3A_189 = arith.constant 0 : i32
    %dma_wait3A_190 = tpu.memref_slice %arg6[%dma_wait3A_186, %dma_wait3A_188, %dma_wait3A_189] : memref<2x832x64xf32, #tpu.memory_space<vmem>> -> memref<1x832x64xf32, #tpu.memory_space<vmem>>
    %dma_wait3A_191 = tpu.memref_squeeze %dma_wait3A_190 : memref<1x832x64xf32, #tpu.memory_space<vmem>> -> memref<832x64xf32, #tpu.memory_space<vmem>>
    %dma_wait3A_192 = arith.constant 2496 : i32
    %dma_wait3A_193 = tpu.memref_slice %arg5[%dma_wait3A_192] : memref<13312xi32, #tpu.memory_space<vmem>> -> memref<832xi32, #tpu.memory_space<vmem>>
    %dma_wait3A_194 = arith.constant 0 : i32
    %dma_wait3A_195 = arith.constant 0 : i32
    %dma_wait3A_196 = tpu.memref_slice %arg3[%dma_wait3A_194, %dma_wait3A_195] : memref<2600000x64xf32, #tpu.memory_space<hbm>> -> memref<2600000x64xf32, #tpu.memory_space<hbm>>
    %dma_wait3A_197 = tpu.memref_slice %arg7[%dma_wait3A_187] : memref<2x!tpu.dma_semaphore, #tpu.memory_space<semaphore_mem>> -> memref<1x!tpu.dma_semaphore, #tpu.memory_space<semaphore_mem>>
    %dma_wait3A_198 = tpu.memref_squeeze %dma_wait3A_197 : memref<1x!tpu.dma_semaphore, #tpu.memory_space<semaphore_mem>> -> memref<!tpu.dma_semaphore, #tpu.memory_space<semaphore_mem>>
    tpu.wait_indirect_dma semaphore(%dma_wait3A_198 : memref<!tpu.dma_semaphore, #tpu.memory_space<semaphore_mem>>) src(%dma_wait3A_196 : memref<2600000x64xf32, #tpu.memory_space<hbm>>) dst(%dma_wait3A_191 : memref<832x64xf32, #tpu.memory_space<vmem>>)
    %add3A_199 = arith.constant 1664 : i32
    %add3A_200 = arith.addi %mul3A_2, %add3A_199 : i32
    %dma_wait3A_201 = arith.constant 0 : i32
    %dma_wait3A_202 = arith.constant 0 : i32
    %dma_wait3A_203 = arith.constant 0 : i32
    %dma_wait3A_204 = arith.constant 0 : i32
    %dma_wait3A_205 = tpu.memref_slice %arg6[%dma_wait3A_201, %dma_wait3A_203, %dma_wait3A_204] : memref<2x832x64xf32, #tpu.memory_space<vmem>> -> memref<1x832x64xf32, #tpu.memory_space<vmem>>
    %dma_wait3A_206 = tpu.memref_squeeze %dma_wait3A_205 : memref<1x832x64xf32, #tpu.memory_space<vmem>> -> memref<832x64xf32, #tpu.memory_space<vmem>>
    %dma_wait3A_207 = arith.constant 0 : i32
    %dma_wait3A_208 = tpu.memref_slice %arg4[%add3A_200, %dma_wait3A_207] : memref<425984x64xf32, #tpu.memory_space<hbm>> -> memref<832x64xf32, #tpu.memory_space<hbm>>
    %dma_wait3A_209 = tpu.memref_slice %arg8[%dma_wait3A_202] : memref<2x!tpu.dma_semaphore, #tpu.memory_space<semaphore_mem>> -> memref<1x!tpu.dma_semaphore, #tpu.memory_space<semaphore_mem>>
    %dma_wait3A_210 = tpu.memref_squeeze %dma_wait3A_209 : memref<1x!tpu.dma_semaphore, #tpu.memory_space<semaphore_mem>> -> memref<!tpu.dma_semaphore, #tpu.memory_space<semaphore_mem>>
    %dma_wait3A_211 = arith.constant 0 : i32
    %dma_wait3A_212 = tpu.memref_slice %arg4[%add3A_200, %dma_wait3A_211] : memref<425984x64xf32, #tpu.memory_space<hbm>> -> memref<832x64xf32, #tpu.memory_space<hbm>>
    %dma_wait3A_213 = arith.constant 0 : i32
    %dma_wait3A_214 = arith.constant 0 : i32
    %dma_wait3A_215 = tpu.memref_slice %arg6[%dma_wait3A_201, %dma_wait3A_213, %dma_wait3A_214] : memref<2x832x64xf32, #tpu.memory_space<vmem>> -> memref<1x832x64xf32, #tpu.memory_space<vmem>>
    %dma_wait3A_216 = tpu.memref_squeeze %dma_wait3A_215 : memref<1x832x64xf32, #tpu.memory_space<vmem>> -> memref<832x64xf32, #tpu.memory_space<vmem>>
    tpu.wait_dma2 semaphore(%dma_wait3A_210 : memref<!tpu.dma_semaphore, #tpu.memory_space<semaphore_mem>>) src(%dma_wait3A_216 : memref<832x64xf32, #tpu.memory_space<vmem>>) dst(%dma_wait3A_212 : memref<832x64xf32, #tpu.memory_space<hbm>>)
    %dma_start3A_217 = arith.constant 0 : i32
    %dma_start3A_218 = arith.constant 0 : i32
    %dma_start3A_219 = arith.constant 0 : i32
    %dma_start3A_220 = arith.constant 0 : i32
    %dma_start3A_221 = tpu.memref_slice %arg6[%dma_start3A_217, %dma_start3A_219, %dma_start3A_220] : memref<2x832x64xf32, #tpu.memory_space<vmem>> -> memref<1x832x64xf32, #tpu.memory_space<vmem>>
    %dma_start3A_222 = tpu.memref_squeeze %dma_start3A_221 : memref<1x832x64xf32, #tpu.memory_space<vmem>> -> memref<832x64xf32, #tpu.memory_space<vmem>>
    %dma_start3A_223 = arith.constant 3328 : i32
    %dma_start3A_224 = tpu.memref_slice %arg5[%dma_start3A_223] : memref<13312xi32, #tpu.memory_space<vmem>> -> memref<832xi32, #tpu.memory_space<vmem>>
    %dma_start3A_225 = arith.constant 0 : i32
    %dma_start3A_226 = arith.constant 0 : i32
    %dma_start3A_227 = tpu.memref_slice %arg3[%dma_start3A_225, %dma_start3A_226] : memref<2600000x64xf32, #tpu.memory_space<hbm>> -> memref<2600000x64xf32, #tpu.memory_space<hbm>>
    %dma_start3A_228 = tpu.memref_slice %arg7[%dma_start3A_218] : memref<2x!tpu.dma_semaphore, #tpu.memory_space<semaphore_mem>> -> memref<1x!tpu.dma_semaphore, #tpu.memory_space<semaphore_mem>>
    %dma_start3A_229 = tpu.memref_squeeze %dma_start3A_228 : memref<1x!tpu.dma_semaphore, #tpu.memory_space<semaphore_mem>> -> memref<!tpu.dma_semaphore, #tpu.memory_space<semaphore_mem>>
    tpu.enqueue_indirect_dma source(%dma_start3A_227 : memref<2600000x64xf32, #tpu.memory_space<hbm>>) target(%dma_start3A_222 : memref<832x64xf32, #tpu.memory_space<vmem>>) offsets(%dma_start3A_224 : memref<832xi32, #tpu.memory_space<vmem>>) semaphore(%dma_start3A_229 : memref<!tpu.dma_semaphore, #tpu.memory_space<semaphore_mem>>)
    %add3A_230 = arith.constant 2496 : i32
    %add3A_231 = arith.addi %mul3A_2, %add3A_230 : i32
    %dma_start3A_232 = arith.constant 1 : i32
    %dma_start3A_233 = arith.constant 1 : i32
    %dma_start3A_234 = arith.constant 0 : i32
    %dma_start3A_235 = arith.constant 0 : i32
    %dma_start3A_236 = tpu.memref_slice %arg6[%dma_start3A_232, %dma_start3A_234, %dma_start3A_235] : memref<2x832x64xf32, #tpu.memory_space<vmem>> -> memref<1x832x64xf32, #tpu.memory_space<vmem>>
    %dma_start3A_237 = tpu.memref_squeeze %dma_start3A_236 : memref<1x832x64xf32, #tpu.memory_space<vmem>> -> memref<832x64xf32, #tpu.memory_space<vmem>>
    %dma_start3A_238 = arith.constant 0 : i32
    %dma_start3A_239 = tpu.memref_slice %arg4[%add3A_231, %dma_start3A_238] : memref<425984x64xf32, #tpu.memory_space<hbm>> -> memref<832x64xf32, #tpu.memory_space<hbm>>
    %dma_start3A_240 = tpu.memref_slice %arg8[%dma_start3A_233] : memref<2x!tpu.dma_semaphore, #tpu.memory_space<semaphore_mem>> -> memref<1x!tpu.dma_semaphore, #tpu.memory_space<semaphore_mem>>
    %dma_start3A_241 = tpu.memref_squeeze %dma_start3A_240 : memref<1x!tpu.dma_semaphore, #tpu.memory_space<semaphore_mem>> -> memref<!tpu.dma_semaphore, #tpu.memory_space<semaphore_mem>>
    %dma_start3A_242 = arith.constant 0 : i32
    %dma_start3A_243 = tpu.memref_slice %arg4[%add3A_231, %dma_start3A_242] : memref<425984x64xf32, #tpu.memory_space<hbm>> -> memref<832x64xf32, #tpu.memory_space<hbm>>
    %dma_start3A_244 = arith.constant 0 : i32
    %dma_start3A_245 = arith.constant 0 : i32
    %dma_start3A_246 = tpu.memref_slice %arg6[%dma_start3A_232, %dma_start3A_244, %dma_start3A_245] : memref<2x832x64xf32, #tpu.memory_space<vmem>> -> memref<1x832x64xf32, #tpu.memory_space<vmem>>
    %dma_start3A_247 = tpu.memref_squeeze %dma_start3A_246 : memref<1x832x64xf32, #tpu.memory_space<vmem>> -> memref<832x64xf32, #tpu.memory_space<vmem>>
    tpu.enqueue_dma source(%dma_start3A_247 : memref<832x64xf32, #tpu.memory_space<vmem>>) target(%dma_start3A_243 : memref<832x64xf32, #tpu.memory_space<hbm>>) target_semaphore(%dma_start3A_241 : memref<!tpu.dma_semaphore, #tpu.memory_space<semaphore_mem>>)
    %dma_wait3A_248 = arith.constant 0 : i32
    %dma_wait3A_249 = arith.constant 0 : i32
    %dma_wait3A_250 = arith.constant 0 : i32
    %dma_wait3A_251 = arith.constant 0 : i32
    %dma_wait3A_252 = tpu.memref_slice %arg6[%dma_wait3A_248, %dma_wait3A_250, %dma_wait3A_251] : memref<2x832x64xf32, #tpu.memory_space<vmem>> -> memref<1x832x64xf32, #tpu.memory_space<vmem>>
    %dma_wait3A_253 = tpu.memref_squeeze %dma_wait3A_252 : memref<1x832x64xf32, #tpu.memory_space<vmem>> -> memref<832x64xf32, #tpu.memory_space<vmem>>
    %dma_wait3A_254 = arith.constant 3328 : i32
    %dma_wait3A_255 = tpu.memref_slice %arg5[%dma_wait3A_254] : memref<13312xi32, #tpu.memory_space<vmem>> -> memref<832xi32, #tpu.memory_space<vmem>>
    %dma_wait3A_256 = arith.constant 0 : i32
    %dma_wait3A_257 = arith.constant 0 : i32
    %dma_wait3A_258 = tpu.memref_slice %arg3[%dma_wait3A_256, %dma_wait3A_257] : memref<2600000x64xf32, #tpu.memory_space<hbm>> -> memref<2600000x64xf32, #tpu.memory_space<hbm>>
    %dma_wait3A_259 = tpu.memref_slice %arg7[%dma_wait3A_249] : memref<2x!tpu.dma_semaphore, #tpu.memory_space<semaphore_mem>> -> memref<1x!tpu.dma_semaphore, #tpu.memory_space<semaphore_mem>>
    %dma_wait3A_260 = tpu.memref_squeeze %dma_wait3A_259 : memref<1x!tpu.dma_semaphore, #tpu.memory_space<semaphore_mem>> -> memref<!tpu.dma_semaphore, #tpu.memory_space<semaphore_mem>>
    tpu.wait_indirect_dma semaphore(%dma_wait3A_260 : memref<!tpu.dma_semaphore, #tpu.memory_space<semaphore_mem>>) src(%dma_wait3A_258 : memref<2600000x64xf32, #tpu.memory_space<hbm>>) dst(%dma_wait3A_253 : memref<832x64xf32, #tpu.memory_space<vmem>>)
    %add3A_261 = arith.constant 2496 : i32
    %add3A_262 = arith.addi %mul3A_2, %add3A_261 : i32
    %dma_wait3A_263 = arith.constant 1 : i32
    %dma_wait3A_264 = arith.constant 1 : i32
    %dma_wait3A_265 = arith.constant 0 : i32
    %dma_wait3A_266 = arith.constant 0 : i32
    %dma_wait3A_267 = tpu.memref_slice %arg6[%dma_wait3A_263, %dma_wait3A_265, %dma_wait3A_266] : memref<2x832x64xf32, #tpu.memory_space<vmem>> -> memref<1x832x64xf32, #tpu.memory_space<vmem>>
    %dma_wait3A_268 = tpu.memref_squeeze %dma_wait3A_267 : memref<1x832x64xf32, #tpu.memory_space<vmem>> -> memref<832x64xf32, #tpu.memory_space<vmem>>
    %dma_wait3A_269 = arith.constant 0 : i32
    %dma_wait3A_270 = tpu.memref_slice %arg4[%add3A_262, %dma_wait3A_269] : memref<425984x64xf32, #tpu.memory_space<hbm>> -> memref<832x64xf32, #tpu.memory_space<hbm>>
    %dma_wait3A_271 = tpu.memref_slice %arg8[%dma_wait3A_264] : memref<2x!tpu.dma_semaphore, #tpu.memory_space<semaphore_mem>> -> memref<1x!tpu.dma_semaphore, #tpu.memory_space<semaphore_mem>>
    %dma_wait3A_272 = tpu.memref_squeeze %dma_wait3A_271 : memref<1x!tpu.dma_semaphore, #tpu.memory_space<semaphore_mem>> -> memref<!tpu.dma_semaphore, #tpu.memory_space<semaphore_mem>>
    %dma_wait3A_273 = arith.constant 0 : i32
    %dma_wait3A_274 = tpu.memref_slice %arg4[%add3A_262, %dma_wait3A_273] : memref<425984x64xf32, #tpu.memory_space<hbm>> -> memref<832x64xf32, #tpu.memory_space<hbm>>
    %dma_wait3A_275 = arith.constant 0 : i32
    %dma_wait3A_276 = arith.constant 0 : i32
    %dma_wait3A_277 = tpu.memref_slice %arg6[%dma_wait3A_263, %dma_wait3A_275, %dma_wait3A_276] : memref<2x832x64xf32, #tpu.memory_space<vmem>> -> memref<1x832x64xf32, #tpu.memory_space<vmem>>
    %dma_wait3A_278 = tpu.memref_squeeze %dma_wait3A_277 : memref<1x832x64xf32, #tpu.memory_space<vmem>> -> memref<832x64xf32, #tpu.memory_space<vmem>>
    tpu.wait_dma2 semaphore(%dma_wait3A_272 : memref<!tpu.dma_semaphore, #tpu.memory_space<semaphore_mem>>) src(%dma_wait3A_278 : memref<832x64xf32, #tpu.memory_space<vmem>>) dst(%dma_wait3A_274 : memref<832x64xf32, #tpu.memory_space<hbm>>)
    %dma_start3A_279 = arith.constant 1 : i32
    %dma_start3A_280 = arith.constant 1 : i32
    %dma_start3A_281 = arith.constant 0 : i32
    %dma_start3A_282 = arith.constant 0 : i32
    %dma_start3A_283 = tpu.memref_slice %arg6[%dma_start3A_279, %dma_start3A_281, %dma_start3A_282] : memref<2x832x64xf32, #tpu.memory_space<vmem>> -> memref<1x832x64xf32, #tpu.memory_space<vmem>>
    %dma_start3A_284 = tpu.memref_squeeze %dma_start3A_283 : memref<1x832x64xf32, #tpu.memory_space<vmem>> -> memref<832x64xf32, #tpu.memory_space<vmem>>
    %dma_start3A_285 = arith.constant 4160 : i32
    %dma_start3A_286 = tpu.memref_slice %arg5[%dma_start3A_285] : memref<13312xi32, #tpu.memory_space<vmem>> -> memref<832xi32, #tpu.memory_space<vmem>>
    %dma_start3A_287 = arith.constant 0 : i32
    %dma_start3A_288 = arith.constant 0 : i32
    %dma_start3A_289 = tpu.memref_slice %arg3[%dma_start3A_287, %dma_start3A_288] : memref<2600000x64xf32, #tpu.memory_space<hbm>> -> memref<2600000x64xf32, #tpu.memory_space<hbm>>
    %dma_start3A_290 = tpu.memref_slice %arg7[%dma_start3A_280] : memref<2x!tpu.dma_semaphore, #tpu.memory_space<semaphore_mem>> -> memref<1x!tpu.dma_semaphore, #tpu.memory_space<semaphore_mem>>
    %dma_start3A_291 = tpu.memref_squeeze %dma_start3A_290 : memref<1x!tpu.dma_semaphore, #tpu.memory_space<semaphore_mem>> -> memref<!tpu.dma_semaphore, #tpu.memory_space<semaphore_mem>>
    tpu.enqueue_indirect_dma source(%dma_start3A_289 : memref<2600000x64xf32, #tpu.memory_space<hbm>>) target(%dma_start3A_284 : memref<832x64xf32, #tpu.memory_space<vmem>>) offsets(%dma_start3A_286 : memref<832xi32, #tpu.memory_space<vmem>>) semaphore(%dma_start3A_291 : memref<!tpu.dma_semaphore, #tpu.memory_space<semaphore_mem>>)
    %add3A_292 = arith.constant 3328 : i32
    %add3A_293 = arith.addi %mul3A_2, %add3A_292 : i32
    %dma_start3A_294 = arith.constant 0 : i32
    %dma_start3A_295 = arith.constant 0 : i32
    %dma_start3A_296 = arith.constant 0 : i32
    %dma_start3A_297 = arith.constant 0 : i32
    %dma_start3A_298 = tpu.memref_slice %arg6[%dma_start3A_294, %dma_start3A_296, %dma_start3A_297] : memref<2x832x64xf32, #tpu.memory_space<vmem>> -> memref<1x832x64xf32, #tpu.memory_space<vmem>>
    %dma_start3A_299 = tpu.memref_squeeze %dma_start3A_298 : memref<1x832x64xf32, #tpu.memory_space<vmem>> -> memref<832x64xf32, #tpu.memory_space<vmem>>
    %dma_start3A_300 = arith.constant 0 : i32
    %dma_start3A_301 = tpu.memref_slice %arg4[%add3A_293, %dma_start3A_300] : memref<425984x64xf32, #tpu.memory_space<hbm>> -> memref<832x64xf32, #tpu.memory_space<hbm>>
    %dma_start3A_302 = tpu.memref_slice %arg8[%dma_start3A_295] : memref<2x!tpu.dma_semaphore, #tpu.memory_space<semaphore_mem>> -> memref<1x!tpu.dma_semaphore, #tpu.memory_space<semaphore_mem>>
    %dma_start3A_303 = tpu.memref_squeeze %dma_start3A_302 : memref<1x!tpu.dma_semaphore, #tpu.memory_space<semaphore_mem>> -> memref<!tpu.dma_semaphore, #tpu.memory_space<semaphore_mem>>
    %dma_start3A_304 = arith.constant 0 : i32
    %dma_start3A_305 = tpu.memref_slice %arg4[%add3A_293, %dma_start3A_304] : memref<425984x64xf32, #tpu.memory_space<hbm>> -> memref<832x64xf32, #tpu.memory_space<hbm>>
    %dma_start3A_306 = arith.constant 0 : i32
    %dma_start3A_307 = arith.constant 0 : i32
    %dma_start3A_308 = tpu.memref_slice %arg6[%dma_start3A_294, %dma_start3A_306, %dma_start3A_307] : memref<2x832x64xf32, #tpu.memory_space<vmem>> -> memref<1x832x64xf32, #tpu.memory_space<vmem>>
    %dma_start3A_309 = tpu.memref_squeeze %dma_start3A_308 : memref<1x832x64xf32, #tpu.memory_space<vmem>> -> memref<832x64xf32, #tpu.memory_space<vmem>>
    tpu.enqueue_dma source(%dma_start3A_309 : memref<832x64xf32, #tpu.memory_space<vmem>>) target(%dma_start3A_305 : memref<832x64xf32, #tpu.memory_space<hbm>>) target_semaphore(%dma_start3A_303 : memref<!tpu.dma_semaphore, #tpu.memory_space<semaphore_mem>>)
    %dma_wait3A_310 = arith.constant 1 : i32
    %dma_wait3A_311 = arith.constant 1 : i32
    %dma_wait3A_312 = arith.constant 0 : i32
    %dma_wait3A_313 = arith.constant 0 : i32
    %dma_wait3A_314 = tpu.memref_slice %arg6[%dma_wait3A_310, %dma_wait3A_312, %dma_wait3A_313] : memref<2x832x64xf32, #tpu.memory_space<vmem>> -> memref<1x832x64xf32, #tpu.memory_space<vmem>>
    %dma_wait3A_315 = tpu.memref_squeeze %dma_wait3A_314 : memref<1x832x64xf32, #tpu.memory_space<vmem>> -> memref<832x64xf32, #tpu.memory_space<vmem>>
    %dma_wait3A_316 = arith.constant 4160 : i32
    %dma_wait3A_317 = tpu.memref_slice %arg5[%dma_wait3A_316] : memref<13312xi32, #tpu.memory_space<vmem>> -> memref<832xi32, #tpu.memory_space<vmem>>
    %dma_wait3A_318 = arith.constant 0 : i32
    %dma_wait3A_319 = arith.constant 0 : i32
    %dma_wait3A_320 = tpu.memref_slice %arg3[%dma_wait3A_318, %dma_wait3A_319] : memref<2600000x64xf32, #tpu.memory_space<hbm>> -> memref<2600000x64xf32, #tpu.memory_space<hbm>>
    %dma_wait3A_321 = tpu.memref_slice %arg7[%dma_wait3A_311] : memref<2x!tpu.dma_semaphore, #tpu.memory_space<semaphore_mem>> -> memref<1x!tpu.dma_semaphore, #tpu.memory_space<semaphore_mem>>
    %dma_wait3A_322 = tpu.memref_squeeze %dma_wait3A_321 : memref<1x!tpu.dma_semaphore, #tpu.memory_space<semaphore_mem>> -> memref<!tpu.dma_semaphore, #tpu.memory_space<semaphore_mem>>
    tpu.wait_indirect_dma semaphore(%dma_wait3A_322 : memref<!tpu.dma_semaphore, #tpu.memory_space<semaphore_mem>>) src(%dma_wait3A_320 : memref<2600000x64xf32, #tpu.memory_space<hbm>>) dst(%dma_wait3A_315 : memref<832x64xf32, #tpu.memory_space<vmem>>)
    %add3A_323 = arith.constant 3328 : i32
    %add3A_324 = arith.addi %mul3A_2, %add3A_323 : i32
    %dma_wait3A_325 = arith.constant 0 : i32
    %dma_wait3A_326 = arith.constant 0 : i32
    %dma_wait3A_327 = arith.constant 0 : i32
    %dma_wait3A_328 = arith.constant 0 : i32
    %dma_wait3A_329 = tpu.memref_slice %arg6[%dma_wait3A_325, %dma_wait3A_327, %dma_wait3A_328] : memref<2x832x64xf32, #tpu.memory_space<vmem>> -> memref<1x832x64xf32, #tpu.memory_space<vmem>>
    %dma_wait3A_330 = tpu.memref_squeeze %dma_wait3A_329 : memref<1x832x64xf32, #tpu.memory_space<vmem>> -> memref<832x64xf32, #tpu.memory_space<vmem>>
    %dma_wait3A_331 = arith.constant 0 : i32
    %dma_wait3A_332 = tpu.memref_slice %arg4[%add3A_324, %dma_wait3A_331] : memref<425984x64xf32, #tpu.memory_space<hbm>> -> memref<832x64xf32, #tpu.memory_space<hbm>>
    %dma_wait3A_333 = tpu.memref_slice %arg8[%dma_wait3A_326] : memref<2x!tpu.dma_semaphore, #tpu.memory_space<semaphore_mem>> -> memref<1x!tpu.dma_semaphore, #tpu.memory_space<semaphore_mem>>
    %dma_wait3A_334 = tpu.memref_squeeze %dma_wait3A_333 : memref<1x!tpu.dma_semaphore, #tpu.memory_space<semaphore_mem>> -> memref<!tpu.dma_semaphore, #tpu.memory_space<semaphore_mem>>
    %dma_wait3A_335 = arith.constant 0 : i32
    %dma_wait3A_336 = tpu.memref_slice %arg4[%add3A_324, %dma_wait3A_335] : memref<425984x64xf32, #tpu.memory_space<hbm>> -> memref<832x64xf32, #tpu.memory_space<hbm>>
    %dma_wait3A_337 = arith.constant 0 : i32
    %dma_wait3A_338 = arith.constant 0 : i32
    %dma_wait3A_339 = tpu.memref_slice %arg6[%dma_wait3A_325, %dma_wait3A_337, %dma_wait3A_338] : memref<2x832x64xf32, #tpu.memory_space<vmem>> -> memref<1x832x64xf32, #tpu.memory_space<vmem>>
    %dma_wait3A_340 = tpu.memref_squeeze %dma_wait3A_339 : memref<1x832x64xf32, #tpu.memory_space<vmem>> -> memref<832x64xf32, #tpu.memory_space<vmem>>
    tpu.wait_dma2 semaphore(%dma_wait3A_334 : memref<!tpu.dma_semaphore, #tpu.memory_space<semaphore_mem>>) src(%dma_wait3A_340 : memref<832x64xf32, #tpu.memory_space<vmem>>) dst(%dma_wait3A_336 : memref<832x64xf32, #tpu.memory_space<hbm>>)
    %dma_start3A_341 = arith.constant 0 : i32
    %dma_start3A_342 = arith.constant 0 : i32
    %dma_start3A_343 = arith.constant 0 : i32
    %dma_start3A_344 = arith.constant 0 : i32
    %dma_start3A_345 = tpu.memref_slice %arg6[%dma_start3A_341, %dma_start3A_343, %dma_start3A_344] : memref<2x832x64xf32, #tpu.memory_space<vmem>> -> memref<1x832x64xf32, #tpu.memory_space<vmem>>
    %dma_start3A_346 = tpu.memref_squeeze %dma_start3A_345 : memref<1x832x64xf32, #tpu.memory_space<vmem>> -> memref<832x64xf32, #tpu.memory_space<vmem>>
    %dma_start3A_347 = arith.constant 4992 : i32
    %dma_start3A_348 = tpu.memref_slice %arg5[%dma_start3A_347] : memref<13312xi32, #tpu.memory_space<vmem>> -> memref<832xi32, #tpu.memory_space<vmem>>
    %dma_start3A_349 = arith.constant 0 : i32
    %dma_start3A_350 = arith.constant 0 : i32
    %dma_start3A_351 = tpu.memref_slice %arg3[%dma_start3A_349, %dma_start3A_350] : memref<2600000x64xf32, #tpu.memory_space<hbm>> -> memref<2600000x64xf32, #tpu.memory_space<hbm>>
    %dma_start3A_352 = tpu.memref_slice %arg7[%dma_start3A_342] : memref<2x!tpu.dma_semaphore, #tpu.memory_space<semaphore_mem>> -> memref<1x!tpu.dma_semaphore, #tpu.memory_space<semaphore_mem>>
    %dma_start3A_353 = tpu.memref_squeeze %dma_start3A_352 : memref<1x!tpu.dma_semaphore, #tpu.memory_space<semaphore_mem>> -> memref<!tpu.dma_semaphore, #tpu.memory_space<semaphore_mem>>
    tpu.enqueue_indirect_dma source(%dma_start3A_351 : memref<2600000x64xf32, #tpu.memory_space<hbm>>) target(%dma_start3A_346 : memref<832x64xf32, #tpu.memory_space<vmem>>) offsets(%dma_start3A_348 : memref<832xi32, #tpu.memory_space<vmem>>) semaphore(%dma_start3A_353 : memref<!tpu.dma_semaphore, #tpu.memory_space<semaphore_mem>>)
    %add3A_354 = arith.constant 4160 : i32
    %add3A_355 = arith.addi %mul3A_2, %add3A_354 : i32
    %dma_start3A_356 = arith.constant 1 : i32
    %dma_start3A_357 = arith.constant 1 : i32
    %dma_start3A_358 = arith.constant 0 : i32
    %dma_start3A_359 = arith.constant 0 : i32
    %dma_start3A_360 = tpu.memref_slice %arg6[%dma_start3A_356, %dma_start3A_358, %dma_start3A_359] : memref<2x832x64xf32, #tpu.memory_space<vmem>> -> memref<1x832x64xf32, #tpu.memory_space<vmem>>
    %dma_start3A_361 = tpu.memref_squeeze %dma_start3A_360 : memref<1x832x64xf32, #tpu.memory_space<vmem>> -> memref<832x64xf32, #tpu.memory_space<vmem>>
    %dma_start3A_362 = arith.constant 0 : i32
    %dma_start3A_363 = tpu.memref_slice %arg4[%add3A_355, %dma_start3A_362] : memref<425984x64xf32, #tpu.memory_space<hbm>> -> memref<832x64xf32, #tpu.memory_space<hbm>>
    %dma_start3A_364 = tpu.memref_slice %arg8[%dma_start3A_357] : memref<2x!tpu.dma_semaphore, #tpu.memory_space<semaphore_mem>> -> memref<1x!tpu.dma_semaphore, #tpu.memory_space<semaphore_mem>>
    %dma_start3A_365 = tpu.memref_squeeze %dma_start3A_364 : memref<1x!tpu.dma_semaphore, #tpu.memory_space<semaphore_mem>> -> memref<!tpu.dma_semaphore, #tpu.memory_space<semaphore_mem>>
    %dma_start3A_366 = arith.constant 0 : i32
    %dma_start3A_367 = tpu.memref_slice %arg4[%add3A_355, %dma_start3A_366] : memref<425984x64xf32, #tpu.memory_space<hbm>> -> memref<832x64xf32, #tpu.memory_space<hbm>>
    %dma_start3A_368 = arith.constant 0 : i32
    %dma_start3A_369 = arith.constant 0 : i32
    %dma_start3A_370 = tpu.memref_slice %arg6[%dma_start3A_356, %dma_start3A_368, %dma_start3A_369] : memref<2x832x64xf32, #tpu.memory_space<vmem>> -> memref<1x832x64xf32, #tpu.memory_space<vmem>>
    %dma_start3A_371 = tpu.memref_squeeze %dma_start3A_370 : memref<1x832x64xf32, #tpu.memory_space<vmem>> -> memref<832x64xf32, #tpu.memory_space<vmem>>
    tpu.enqueue_dma source(%dma_start3A_371 : memref<832x64xf32, #tpu.memory_space<vmem>>) target(%dma_start3A_367 : memref<832x64xf32, #tpu.memory_space<hbm>>) target_semaphore(%dma_start3A_365 : memref<!tpu.dma_semaphore, #tpu.memory_space<semaphore_mem>>)
    %dma_wait3A_372 = arith.constant 0 : i32
    %dma_wait3A_373 = arith.constant 0 : i32
    %dma_wait3A_374 = arith.constant 0 : i32
    %dma_wait3A_375 = arith.constant 0 : i32
    %dma_wait3A_376 = tpu.memref_slice %arg6[%dma_wait3A_372, %dma_wait3A_374, %dma_wait3A_375] : memref<2x832x64xf32, #tpu.memory_space<vmem>> -> memref<1x832x64xf32, #tpu.memory_space<vmem>>
    %dma_wait3A_377 = tpu.memref_squeeze %dma_wait3A_376 : memref<1x832x64xf32, #tpu.memory_space<vmem>> -> memref<832x64xf32, #tpu.memory_space<vmem>>
    %dma_wait3A_378 = arith.constant 4992 : i32
    %dma_wait3A_379 = tpu.memref_slice %arg5[%dma_wait3A_378] : memref<13312xi32, #tpu.memory_space<vmem>> -> memref<832xi32, #tpu.memory_space<vmem>>
    %dma_wait3A_380 = arith.constant 0 : i32
    %dma_wait3A_381 = arith.constant 0 : i32
    %dma_wait3A_382 = tpu.memref_slice %arg3[%dma_wait3A_380, %dma_wait3A_381] : memref<2600000x64xf32, #tpu.memory_space<hbm>> -> memref<2600000x64xf32, #tpu.memory_space<hbm>>
    %dma_wait3A_383 = tpu.memref_slice %arg7[%dma_wait3A_373] : memref<2x!tpu.dma_semaphore, #tpu.memory_space<semaphore_mem>> -> memref<1x!tpu.dma_semaphore, #tpu.memory_space<semaphore_mem>>
    %dma_wait3A_384 = tpu.memref_squeeze %dma_wait3A_383 : memref<1x!tpu.dma_semaphore, #tpu.memory_space<semaphore_mem>> -> memref<!tpu.dma_semaphore, #tpu.memory_space<semaphore_mem>>
    tpu.wait_indirect_dma semaphore(%dma_wait3A_384 : memref<!tpu.dma_semaphore, #tpu.memory_space<semaphore_mem>>) src(%dma_wait3A_382 : memref<2600000x64xf32, #tpu.memory_space<hbm>>) dst(%dma_wait3A_377 : memref<832x64xf32, #tpu.memory_space<vmem>>)
    %add3A_385 = arith.constant 4160 : i32
    %add3A_386 = arith.addi %mul3A_2, %add3A_385 : i32
    %dma_wait3A_387 = arith.constant 1 : i32
    %dma_wait3A_388 = arith.constant 1 : i32
    %dma_wait3A_389 = arith.constant 0 : i32
    %dma_wait3A_390 = arith.constant 0 : i32
    %dma_wait3A_391 = tpu.memref_slice %arg6[%dma_wait3A_387, %dma_wait3A_389, %dma_wait3A_390] : memref<2x832x64xf32, #tpu.memory_space<vmem>> -> memref<1x832x64xf32, #tpu.memory_space<vmem>>
    %dma_wait3A_392 = tpu.memref_squeeze %dma_wait3A_391 : memref<1x832x64xf32, #tpu.memory_space<vmem>> -> memref<832x64xf32, #tpu.memory_space<vmem>>
    %dma_wait3A_393 = arith.constant 0 : i32
    %dma_wait3A_394 = tpu.memref_slice %arg4[%add3A_386, %dma_wait3A_393] : memref<425984x64xf32, #tpu.memory_space<hbm>> -> memref<832x64xf32, #tpu.memory_space<hbm>>
    %dma_wait3A_395 = tpu.memref_slice %arg8[%dma_wait3A_388] : memref<2x!tpu.dma_semaphore, #tpu.memory_space<semaphore_mem>> -> memref<1x!tpu.dma_semaphore, #tpu.memory_space<semaphore_mem>>
    %dma_wait3A_396 = tpu.memref_squeeze %dma_wait3A_395 : memref<1x!tpu.dma_semaphore, #tpu.memory_space<semaphore_mem>> -> memref<!tpu.dma_semaphore, #tpu.memory_space<semaphore_mem>>
    %dma_wait3A_397 = arith.constant 0 : i32
    %dma_wait3A_398 = tpu.memref_slice %arg4[%add3A_386, %dma_wait3A_397] : memref<425984x64xf32, #tpu.memory_space<hbm>> -> memref<832x64xf32, #tpu.memory_space<hbm>>
    %dma_wait3A_399 = arith.constant 0 : i32
    %dma_wait3A_400 = arith.constant 0 : i32
    %dma_wait3A_401 = tpu.memref_slice %arg6[%dma_wait3A_387, %dma_wait3A_399, %dma_wait3A_400] : memref<2x832x64xf32, #tpu.memory_space<vmem>> -> memref<1x832x64xf32, #tpu.memory_space<vmem>>
    %dma_wait3A_402 = tpu.memref_squeeze %dma_wait3A_401 : memref<1x832x64xf32, #tpu.memory_space<vmem>> -> memref<832x64xf32, #tpu.memory_space<vmem>>
    tpu.wait_dma2 semaphore(%dma_wait3A_396 : memref<!tpu.dma_semaphore, #tpu.memory_space<semaphore_mem>>) src(%dma_wait3A_402 : memref<832x64xf32, #tpu.memory_space<vmem>>) dst(%dma_wait3A_398 : memref<832x64xf32, #tpu.memory_space<hbm>>)
    %dma_start3A_403 = arith.constant 1 : i32
    %dma_start3A_404 = arith.constant 1 : i32
    %dma_start3A_405 = arith.constant 0 : i32
    %dma_start3A_406 = arith.constant 0 : i32
    %dma_start3A_407 = tpu.memref_slice %arg6[%dma_start3A_403, %dma_start3A_405, %dma_start3A_406] : memref<2x832x64xf32, #tpu.memory_space<vmem>> -> memref<1x832x64xf32, #tpu.memory_space<vmem>>
    %dma_start3A_408 = tpu.memref_squeeze %dma_start3A_407 : memref<1x832x64xf32, #tpu.memory_space<vmem>> -> memref<832x64xf32, #tpu.memory_space<vmem>>
    %dma_start3A_409 = arith.constant 5824 : i32
    %dma_start3A_410 = tpu.memref_slice %arg5[%dma_start3A_409] : memref<13312xi32, #tpu.memory_space<vmem>> -> memref<832xi32, #tpu.memory_space<vmem>>
    %dma_start3A_411 = arith.constant 0 : i32
    %dma_start3A_412 = arith.constant 0 : i32
    %dma_start3A_413 = tpu.memref_slice %arg3[%dma_start3A_411, %dma_start3A_412] : memref<2600000x64xf32, #tpu.memory_space<hbm>> -> memref<2600000x64xf32, #tpu.memory_space<hbm>>
    %dma_start3A_414 = tpu.memref_slice %arg7[%dma_start3A_404] : memref<2x!tpu.dma_semaphore, #tpu.memory_space<semaphore_mem>> -> memref<1x!tpu.dma_semaphore, #tpu.memory_space<semaphore_mem>>
    %dma_start3A_415 = tpu.memref_squeeze %dma_start3A_414 : memref<1x!tpu.dma_semaphore, #tpu.memory_space<semaphore_mem>> -> memref<!tpu.dma_semaphore, #tpu.memory_space<semaphore_mem>>
    tpu.enqueue_indirect_dma source(%dma_start3A_413 : memref<2600000x64xf32, #tpu.memory_space<hbm>>) target(%dma_start3A_408 : memref<832x64xf32, #tpu.memory_space<vmem>>) offsets(%dma_start3A_410 : memref<832xi32, #tpu.memory_space<vmem>>) semaphore(%dma_start3A_415 : memref<!tpu.dma_semaphore, #tpu.memory_space<semaphore_mem>>)
    %add3A_416 = arith.constant 4992 : i32
    %add3A_417 = arith.addi %mul3A_2, %add3A_416 : i32
    %dma_start3A_418 = arith.constant 0 : i32
    %dma_start3A_419 = arith.constant 0 : i32
    %dma_start3A_420 = arith.constant 0 : i32
    %dma_start3A_421 = arith.constant 0 : i32
    %dma_start3A_422 = tpu.memref_slice %arg6[%dma_start3A_418, %dma_start3A_420, %dma_start3A_421] : memref<2x832x64xf32, #tpu.memory_space<vmem>> -> memref<1x832x64xf32, #tpu.memory_space<vmem>>
    %dma_start3A_423 = tpu.memref_squeeze %dma_start3A_422 : memref<1x832x64xf32, #tpu.memory_space<vmem>> -> memref<832x64xf32, #tpu.memory_space<vmem>>
    %dma_start3A_424 = arith.constant 0 : i32
    %dma_start3A_425 = tpu.memref_slice %arg4[%add3A_417, %dma_start3A_424] : memref<425984x64xf32, #tpu.memory_space<hbm>> -> memref<832x64xf32, #tpu.memory_space<hbm>>
    %dma_start3A_426 = tpu.memref_slice %arg8[%dma_start3A_419] : memref<2x!tpu.dma_semaphore, #tpu.memory_space<semaphore_mem>> -> memref<1x!tpu.dma_semaphore, #tpu.memory_space<semaphore_mem>>
    %dma_start3A_427 = tpu.memref_squeeze %dma_start3A_426 : memref<1x!tpu.dma_semaphore, #tpu.memory_space<semaphore_mem>> -> memref<!tpu.dma_semaphore, #tpu.memory_space<semaphore_mem>>
    %dma_start3A_428 = arith.constant 0 : i32
    %dma_start3A_429 = tpu.memref_slice %arg4[%add3A_417, %dma_start3A_428] : memref<425984x64xf32, #tpu.memory_space<hbm>> -> memref<832x64xf32, #tpu.memory_space<hbm>>
    %dma_start3A_430 = arith.constant 0 : i32
    %dma_start3A_431 = arith.constant 0 : i32
    %dma_start3A_432 = tpu.memref_slice %arg6[%dma_start3A_418, %dma_start3A_430, %dma_start3A_431] : memref<2x832x64xf32, #tpu.memory_space<vmem>> -> memref<1x832x64xf32, #tpu.memory_space<vmem>>
    %dma_start3A_433 = tpu.memref_squeeze %dma_start3A_432 : memref<1x832x64xf32, #tpu.memory_space<vmem>> -> memref<832x64xf32, #tpu.memory_space<vmem>>
    tpu.enqueue_dma source(%dma_start3A_433 : memref<832x64xf32, #tpu.memory_space<vmem>>) target(%dma_start3A_429 : memref<832x64xf32, #tpu.memory_space<hbm>>) target_semaphore(%dma_start3A_427 : memref<!tpu.dma_semaphore, #tpu.memory_space<semaphore_mem>>)
    %dma_wait3A_434 = arith.constant 1 : i32
    %dma_wait3A_435 = arith.constant 1 : i32
    %dma_wait3A_436 = arith.constant 0 : i32
    %dma_wait3A_437 = arith.constant 0 : i32
    %dma_wait3A_438 = tpu.memref_slice %arg6[%dma_wait3A_434, %dma_wait3A_436, %dma_wait3A_437] : memref<2x832x64xf32, #tpu.memory_space<vmem>> -> memref<1x832x64xf32, #tpu.memory_space<vmem>>
    %dma_wait3A_439 = tpu.memref_squeeze %dma_wait3A_438 : memref<1x832x64xf32, #tpu.memory_space<vmem>> -> memref<832x64xf32, #tpu.memory_space<vmem>>
    %dma_wait3A_440 = arith.constant 5824 : i32
    %dma_wait3A_441 = tpu.memref_slice %arg5[%dma_wait3A_440] : memref<13312xi32, #tpu.memory_space<vmem>> -> memref<832xi32, #tpu.memory_space<vmem>>
    %dma_wait3A_442 = arith.constant 0 : i32
    %dma_wait3A_443 = arith.constant 0 : i32
    %dma_wait3A_444 = tpu.memref_slice %arg3[%dma_wait3A_442, %dma_wait3A_443] : memref<2600000x64xf32, #tpu.memory_space<hbm>> -> memref<2600000x64xf32, #tpu.memory_space<hbm>>
    %dma_wait3A_445 = tpu.memref_slice %arg7[%dma_wait3A_435] : memref<2x!tpu.dma_semaphore, #tpu.memory_space<semaphore_mem>> -> memref<1x!tpu.dma_semaphore, #tpu.memory_space<semaphore_mem>>
    %dma_wait3A_446 = tpu.memref_squeeze %dma_wait3A_445 : memref<1x!tpu.dma_semaphore, #tpu.memory_space<semaphore_mem>> -> memref<!tpu.dma_semaphore, #tpu.memory_space<semaphore_mem>>
    tpu.wait_indirect_dma semaphore(%dma_wait3A_446 : memref<!tpu.dma_semaphore, #tpu.memory_space<semaphore_mem>>) src(%dma_wait3A_444 : memref<2600000x64xf32, #tpu.memory_space<hbm>>) dst(%dma_wait3A_439 : memref<832x64xf32, #tpu.memory_space<vmem>>)
    %add3A_447 = arith.constant 4992 : i32
    %add3A_448 = arith.addi %mul3A_2, %add3A_447 : i32
    %dma_wait3A_449 = arith.constant 0 : i32
    %dma_wait3A_450 = arith.constant 0 : i32
    %dma_wait3A_451 = arith.constant 0 : i32
    %dma_wait3A_452 = arith.constant 0 : i32
    %dma_wait3A_453 = tpu.memref_slice %arg6[%dma_wait3A_449, %dma_wait3A_451, %dma_wait3A_452] : memref<2x832x64xf32, #tpu.memory_space<vmem>> -> memref<1x832x64xf32, #tpu.memory_space<vmem>>
    %dma_wait3A_454 = tpu.memref_squeeze %dma_wait3A_453 : memref<1x832x64xf32, #tpu.memory_space<vmem>> -> memref<832x64xf32, #tpu.memory_space<vmem>>
    %dma_wait3A_455 = arith.constant 0 : i32
    %dma_wait3A_456 = tpu.memref_slice %arg4[%add3A_448, %dma_wait3A_455] : memref<425984x64xf32, #tpu.memory_space<hbm>> -> memref<832x64xf32, #tpu.memory_space<hbm>>
    %dma_wait3A_457 = tpu.memref_slice %arg8[%dma_wait3A_450] : memref<2x!tpu.dma_semaphore, #tpu.memory_space<semaphore_mem>> -> memref<1x!tpu.dma_semaphore, #tpu.memory_space<semaphore_mem>>
    %dma_wait3A_458 = tpu.memref_squeeze %dma_wait3A_457 : memref<1x!tpu.dma_semaphore, #tpu.memory_space<semaphore_mem>> -> memref<!tpu.dma_semaphore, #tpu.memory_space<semaphore_mem>>
    %dma_wait3A_459 = arith.constant 0 : i32
    %dma_wait3A_460 = tpu.memref_slice %arg4[%add3A_448, %dma_wait3A_459] : memref<425984x64xf32, #tpu.memory_space<hbm>> -> memref<832x64xf32, #tpu.memory_space<hbm>>
    %dma_wait3A_461 = arith.constant 0 : i32
    %dma_wait3A_462 = arith.constant 0 : i32
    %dma_wait3A_463 = tpu.memref_slice %arg6[%dma_wait3A_449, %dma_wait3A_461, %dma_wait3A_462] : memref<2x832x64xf32, #tpu.memory_space<vmem>> -> memref<1x832x64xf32, #tpu.memory_space<vmem>>
    %dma_wait3A_464 = tpu.memref_squeeze %dma_wait3A_463 : memref<1x832x64xf32, #tpu.memory_space<vmem>> -> memref<832x64xf32, #tpu.memory_space<vmem>>
    tpu.wait_dma2 semaphore(%dma_wait3A_458 : memref<!tpu.dma_semaphore, #tpu.memory_space<semaphore_mem>>) src(%dma_wait3A_464 : memref<832x64xf32, #tpu.memory_space<vmem>>) dst(%dma_wait3A_460 : memref<832x64xf32, #tpu.memory_space<hbm>>)
    %dma_start3A_465 = arith.constant 0 : i32
    %dma_start3A_466 = arith.constant 0 : i32
    %dma_start3A_467 = arith.constant 0 : i32
    %dma_start3A_468 = arith.constant 0 : i32
    %dma_start3A_469 = tpu.memref_slice %arg6[%dma_start3A_465, %dma_start3A_467, %dma_start3A_468] : memref<2x832x64xf32, #tpu.memory_space<vmem>> -> memref<1x832x64xf32, #tpu.memory_space<vmem>>
    %dma_start3A_470 = tpu.memref_squeeze %dma_start3A_469 : memref<1x832x64xf32, #tpu.memory_space<vmem>> -> memref<832x64xf32, #tpu.memory_space<vmem>>
    %dma_start3A_471 = arith.constant 6656 : i32
    %dma_start3A_472 = tpu.memref_slice %arg5[%dma_start3A_471] : memref<13312xi32, #tpu.memory_space<vmem>> -> memref<832xi32, #tpu.memory_space<vmem>>
    %dma_start3A_473 = arith.constant 0 : i32
    %dma_start3A_474 = arith.constant 0 : i32
    %dma_start3A_475 = tpu.memref_slice %arg3[%dma_start3A_473, %dma_start3A_474] : memref<2600000x64xf32, #tpu.memory_space<hbm>> -> memref<2600000x64xf32, #tpu.memory_space<hbm>>
    %dma_start3A_476 = tpu.memref_slice %arg7[%dma_start3A_466] : memref<2x!tpu.dma_semaphore, #tpu.memory_space<semaphore_mem>> -> memref<1x!tpu.dma_semaphore, #tpu.memory_space<semaphore_mem>>
    %dma_start3A_477 = tpu.memref_squeeze %dma_start3A_476 : memref<1x!tpu.dma_semaphore, #tpu.memory_space<semaphore_mem>> -> memref<!tpu.dma_semaphore, #tpu.memory_space<semaphore_mem>>
    tpu.enqueue_indirect_dma source(%dma_start3A_475 : memref<2600000x64xf32, #tpu.memory_space<hbm>>) target(%dma_start3A_470 : memref<832x64xf32, #tpu.memory_space<vmem>>) offsets(%dma_start3A_472 : memref<832xi32, #tpu.memory_space<vmem>>) semaphore(%dma_start3A_477 : memref<!tpu.dma_semaphore, #tpu.memory_space<semaphore_mem>>)
    %add3A_478 = arith.constant 5824 : i32
    %add3A_479 = arith.addi %mul3A_2, %add3A_478 : i32
    %dma_start3A_480 = arith.constant 1 : i32
    %dma_start3A_481 = arith.constant 1 : i32
    %dma_start3A_482 = arith.constant 0 : i32
    %dma_start3A_483 = arith.constant 0 : i32
    %dma_start3A_484 = tpu.memref_slice %arg6[%dma_start3A_480, %dma_start3A_482, %dma_start3A_483] : memref<2x832x64xf32, #tpu.memory_space<vmem>> -> memref<1x832x64xf32, #tpu.memory_space<vmem>>
    %dma_start3A_485 = tpu.memref_squeeze %dma_start3A_484 : memref<1x832x64xf32, #tpu.memory_space<vmem>> -> memref<832x64xf32, #tpu.memory_space<vmem>>
    %dma_start3A_486 = arith.constant 0 : i32
    %dma_start3A_487 = tpu.memref_slice %arg4[%add3A_479, %dma_start3A_486] : memref<425984x64xf32, #tpu.memory_space<hbm>> -> memref<832x64xf32, #tpu.memory_space<hbm>>
    %dma_start3A_488 = tpu.memref_slice %arg8[%dma_start3A_481] : memref<2x!tpu.dma_semaphore, #tpu.memory_space<semaphore_mem>> -> memref<1x!tpu.dma_semaphore, #tpu.memory_space<semaphore_mem>>
    %dma_start3A_489 = tpu.memref_squeeze %dma_start3A_488 : memref<1x!tpu.dma_semaphore, #tpu.memory_space<semaphore_mem>> -> memref<!tpu.dma_semaphore, #tpu.memory_space<semaphore_mem>>
    %dma_start3A_490 = arith.constant 0 : i32
    %dma_start3A_491 = tpu.memref_slice %arg4[%add3A_479, %dma_start3A_490] : memref<425984x64xf32, #tpu.memory_space<hbm>> -> memref<832x64xf32, #tpu.memory_space<hbm>>
    %dma_start3A_492 = arith.constant 0 : i32
    %dma_start3A_493 = arith.constant 0 : i32
    %dma_start3A_494 = tpu.memref_slice %arg6[%dma_start3A_480, %dma_start3A_492, %dma_start3A_493] : memref<2x832x64xf32, #tpu.memory_space<vmem>> -> memref<1x832x64xf32, #tpu.memory_space<vmem>>
    %dma_start3A_495 = tpu.memref_squeeze %dma_start3A_494 : memref<1x832x64xf32, #tpu.memory_space<vmem>> -> memref<832x64xf32, #tpu.memory_space<vmem>>
    tpu.enqueue_dma source(%dma_start3A_495 : memref<832x64xf32, #tpu.memory_space<vmem>>) target(%dma_start3A_491 : memref<832x64xf32, #tpu.memory_space<hbm>>) target_semaphore(%dma_start3A_489 : memref<!tpu.dma_semaphore, #tpu.memory_space<semaphore_mem>>)
    %dma_wait3A_496 = arith.constant 0 : i32
    %dma_wait3A_497 = arith.constant 0 : i32
    %dma_wait3A_498 = arith.constant 0 : i32
    %dma_wait3A_499 = arith.constant 0 : i32
    %dma_wait3A_500 = tpu.memref_slice %arg6[%dma_wait3A_496, %dma_wait3A_498, %dma_wait3A_499] : memref<2x832x64xf32, #tpu.memory_space<vmem>> -> memref<1x832x64xf32, #tpu.memory_space<vmem>>
    %dma_wait3A_501 = tpu.memref_squeeze %dma_wait3A_500 : memref<1x832x64xf32, #tpu.memory_space<vmem>> -> memref<832x64xf32, #tpu.memory_space<vmem>>
    %dma_wait3A_502 = arith.constant 6656 : i32
    %dma_wait3A_503 = tpu.memref_slice %arg5[%dma_wait3A_502] : memref<13312xi32, #tpu.memory_space<vmem>> -> memref<832xi32, #tpu.memory_space<vmem>>
    %dma_wait3A_504 = arith.constant 0 : i32
    %dma_wait3A_505 = arith.constant 0 : i32
    %dma_wait3A_506 = tpu.memref_slice %arg3[%dma_wait3A_504, %dma_wait3A_505] : memref<2600000x64xf32, #tpu.memory_space<hbm>> -> memref<2600000x64xf32, #tpu.memory_space<hbm>>
    %dma_wait3A_507 = tpu.memref_slice %arg7[%dma_wait3A_497] : memref<2x!tpu.dma_semaphore, #tpu.memory_space<semaphore_mem>> -> memref<1x!tpu.dma_semaphore, #tpu.memory_space<semaphore_mem>>
    %dma_wait3A_508 = tpu.memref_squeeze %dma_wait3A_507 : memref<1x!tpu.dma_semaphore, #tpu.memory_space<semaphore_mem>> -> memref<!tpu.dma_semaphore, #tpu.memory_space<semaphore_mem>>
    tpu.wait_indirect_dma semaphore(%dma_wait3A_508 : memref<!tpu.dma_semaphore, #tpu.memory_space<semaphore_mem>>) src(%dma_wait3A_506 : memref<2600000x64xf32, #tpu.memory_space<hbm>>) dst(%dma_wait3A_501 : memref<832x64xf32, #tpu.memory_space<vmem>>)
    %add3A_509 = arith.constant 5824 : i32
    %add3A_510 = arith.addi %mul3A_2, %add3A_509 : i32
    %dma_wait3A_511 = arith.constant 1 : i32
    %dma_wait3A_512 = arith.constant 1 : i32
    %dma_wait3A_513 = arith.constant 0 : i32
    %dma_wait3A_514 = arith.constant 0 : i32
    %dma_wait3A_515 = tpu.memref_slice %arg6[%dma_wait3A_511, %dma_wait3A_513, %dma_wait3A_514] : memref<2x832x64xf32, #tpu.memory_space<vmem>> -> memref<1x832x64xf32, #tpu.memory_space<vmem>>
    %dma_wait3A_516 = tpu.memref_squeeze %dma_wait3A_515 : memref<1x832x64xf32, #tpu.memory_space<vmem>> -> memref<832x64xf32, #tpu.memory_space<vmem>>
    %dma_wait3A_517 = arith.constant 0 : i32
    %dma_wait3A_518 = tpu.memref_slice %arg4[%add3A_510, %dma_wait3A_517] : memref<425984x64xf32, #tpu.memory_space<hbm>> -> memref<832x64xf32, #tpu.memory_space<hbm>>
    %dma_wait3A_519 = tpu.memref_slice %arg8[%dma_wait3A_512] : memref<2x!tpu.dma_semaphore, #tpu.memory_space<semaphore_mem>> -> memref<1x!tpu.dma_semaphore, #tpu.memory_space<semaphore_mem>>
    %dma_wait3A_520 = tpu.memref_squeeze %dma_wait3A_519 : memref<1x!tpu.dma_semaphore, #tpu.memory_space<semaphore_mem>> -> memref<!tpu.dma_semaphore, #tpu.memory_space<semaphore_mem>>
    %dma_wait3A_521 = arith.constant 0 : i32
    %dma_wait3A_522 = tpu.memref_slice %arg4[%add3A_510, %dma_wait3A_521] : memref<425984x64xf32, #tpu.memory_space<hbm>> -> memref<832x64xf32, #tpu.memory_space<hbm>>
    %dma_wait3A_523 = arith.constant 0 : i32
    %dma_wait3A_524 = arith.constant 0 : i32
    %dma_wait3A_525 = tpu.memref_slice %arg6[%dma_wait3A_511, %dma_wait3A_523, %dma_wait3A_524] : memref<2x832x64xf32, #tpu.memory_space<vmem>> -> memref<1x832x64xf32, #tpu.memory_space<vmem>>
    %dma_wait3A_526 = tpu.memref_squeeze %dma_wait3A_525 : memref<1x832x64xf32, #tpu.memory_space<vmem>> -> memref<832x64xf32, #tpu.memory_space<vmem>>
    tpu.wait_dma2 semaphore(%dma_wait3A_520 : memref<!tpu.dma_semaphore, #tpu.memory_space<semaphore_mem>>) src(%dma_wait3A_526 : memref<832x64xf32, #tpu.memory_space<vmem>>) dst(%dma_wait3A_522 : memref<832x64xf32, #tpu.memory_space<hbm>>)
    %dma_start3A_527 = arith.constant 1 : i32
    %dma_start3A_528 = arith.constant 1 : i32
    %dma_start3A_529 = arith.constant 0 : i32
    %dma_start3A_530 = arith.constant 0 : i32
    %dma_start3A_531 = tpu.memref_slice %arg6[%dma_start3A_527, %dma_start3A_529, %dma_start3A_530] : memref<2x832x64xf32, #tpu.memory_space<vmem>> -> memref<1x832x64xf32, #tpu.memory_space<vmem>>
    %dma_start3A_532 = tpu.memref_squeeze %dma_start3A_531 : memref<1x832x64xf32, #tpu.memory_space<vmem>> -> memref<832x64xf32, #tpu.memory_space<vmem>>
    %dma_start3A_533 = arith.constant 7488 : i32
    %dma_start3A_534 = tpu.memref_slice %arg5[%dma_start3A_533] : memref<13312xi32, #tpu.memory_space<vmem>> -> memref<832xi32, #tpu.memory_space<vmem>>
    %dma_start3A_535 = arith.constant 0 : i32
    %dma_start3A_536 = arith.constant 0 : i32
    %dma_start3A_537 = tpu.memref_slice %arg3[%dma_start3A_535, %dma_start3A_536] : memref<2600000x64xf32, #tpu.memory_space<hbm>> -> memref<2600000x64xf32, #tpu.memory_space<hbm>>
    %dma_start3A_538 = tpu.memref_slice %arg7[%dma_start3A_528] : memref<2x!tpu.dma_semaphore, #tpu.memory_space<semaphore_mem>> -> memref<1x!tpu.dma_semaphore, #tpu.memory_space<semaphore_mem>>
    %dma_start3A_539 = tpu.memref_squeeze %dma_start3A_538 : memref<1x!tpu.dma_semaphore, #tpu.memory_space<semaphore_mem>> -> memref<!tpu.dma_semaphore, #tpu.memory_space<semaphore_mem>>
    tpu.enqueue_indirect_dma source(%dma_start3A_537 : memref<2600000x64xf32, #tpu.memory_space<hbm>>) target(%dma_start3A_532 : memref<832x64xf32, #tpu.memory_space<vmem>>) offsets(%dma_start3A_534 : memref<832xi32, #tpu.memory_space<vmem>>) semaphore(%dma_start3A_539 : memref<!tpu.dma_semaphore, #tpu.memory_space<semaphore_mem>>)
    %add3A_540 = arith.constant 6656 : i32
    %add3A_541 = arith.addi %mul3A_2, %add3A_540 : i32
    %dma_start3A_542 = arith.constant 0 : i32
    %dma_start3A_543 = arith.constant 0 : i32
    %dma_start3A_544 = arith.constant 0 : i32
    %dma_start3A_545 = arith.constant 0 : i32
    %dma_start3A_546 = tpu.memref_slice %arg6[%dma_start3A_542, %dma_start3A_544, %dma_start3A_545] : memref<2x832x64xf32, #tpu.memory_space<vmem>> -> memref<1x832x64xf32, #tpu.memory_space<vmem>>
    %dma_start3A_547 = tpu.memref_squeeze %dma_start3A_546 : memref<1x832x64xf32, #tpu.memory_space<vmem>> -> memref<832x64xf32, #tpu.memory_space<vmem>>
    %dma_start3A_548 = arith.constant 0 : i32
    %dma_start3A_549 = tpu.memref_slice %arg4[%add3A_541, %dma_start3A_548] : memref<425984x64xf32, #tpu.memory_space<hbm>> -> memref<832x64xf32, #tpu.memory_space<hbm>>
    %dma_start3A_550 = tpu.memref_slice %arg8[%dma_start3A_543] : memref<2x!tpu.dma_semaphore, #tpu.memory_space<semaphore_mem>> -> memref<1x!tpu.dma_semaphore, #tpu.memory_space<semaphore_mem>>
    %dma_start3A_551 = tpu.memref_squeeze %dma_start3A_550 : memref<1x!tpu.dma_semaphore, #tpu.memory_space<semaphore_mem>> -> memref<!tpu.dma_semaphore, #tpu.memory_space<semaphore_mem>>
    %dma_start3A_552 = arith.constant 0 : i32
    %dma_start3A_553 = tpu.memref_slice %arg4[%add3A_541, %dma_start3A_552] : memref<425984x64xf32, #tpu.memory_space<hbm>> -> memref<832x64xf32, #tpu.memory_space<hbm>>
    %dma_start3A_554 = arith.constant 0 : i32
    %dma_start3A_555 = arith.constant 0 : i32
    %dma_start3A_556 = tpu.memref_slice %arg6[%dma_start3A_542, %dma_start3A_554, %dma_start3A_555] : memref<2x832x64xf32, #tpu.memory_space<vmem>> -> memref<1x832x64xf32, #tpu.memory_space<vmem>>
    %dma_start3A_557 = tpu.memref_squeeze %dma_start3A_556 : memref<1x832x64xf32, #tpu.memory_space<vmem>> -> memref<832x64xf32, #tpu.memory_space<vmem>>
    tpu.enqueue_dma source(%dma_start3A_557 : memref<832x64xf32, #tpu.memory_space<vmem>>) target(%dma_start3A_553 : memref<832x64xf32, #tpu.memory_space<hbm>>) target_semaphore(%dma_start3A_551 : memref<!tpu.dma_semaphore, #tpu.memory_space<semaphore_mem>>)
    %dma_wait3A_558 = arith.constant 1 : i32
    %dma_wait3A_559 = arith.constant 1 : i32
    %dma_wait3A_560 = arith.constant 0 : i32
    %dma_wait3A_561 = arith.constant 0 : i32
    %dma_wait3A_562 = tpu.memref_slice %arg6[%dma_wait3A_558, %dma_wait3A_560, %dma_wait3A_561] : memref<2x832x64xf32, #tpu.memory_space<vmem>> -> memref<1x832x64xf32, #tpu.memory_space<vmem>>
    %dma_wait3A_563 = tpu.memref_squeeze %dma_wait3A_562 : memref<1x832x64xf32, #tpu.memory_space<vmem>> -> memref<832x64xf32, #tpu.memory_space<vmem>>
    %dma_wait3A_564 = arith.constant 7488 : i32
    %dma_wait3A_565 = tpu.memref_slice %arg5[%dma_wait3A_564] : memref<13312xi32, #tpu.memory_space<vmem>> -> memref<832xi32, #tpu.memory_space<vmem>>
    %dma_wait3A_566 = arith.constant 0 : i32
    %dma_wait3A_567 = arith.constant 0 : i32
    %dma_wait3A_568 = tpu.memref_slice %arg3[%dma_wait3A_566, %dma_wait3A_567] : memref<2600000x64xf32, #tpu.memory_space<hbm>> -> memref<2600000x64xf32, #tpu.memory_space<hbm>>
    %dma_wait3A_569 = tpu.memref_slice %arg7[%dma_wait3A_559] : memref<2x!tpu.dma_semaphore, #tpu.memory_space<semaphore_mem>> -> memref<1x!tpu.dma_semaphore, #tpu.memory_space<semaphore_mem>>
    %dma_wait3A_570 = tpu.memref_squeeze %dma_wait3A_569 : memref<1x!tpu.dma_semaphore, #tpu.memory_space<semaphore_mem>> -> memref<!tpu.dma_semaphore, #tpu.memory_space<semaphore_mem>>
    tpu.wait_indirect_dma semaphore(%dma_wait3A_570 : memref<!tpu.dma_semaphore, #tpu.memory_space<semaphore_mem>>) src(%dma_wait3A_568 : memref<2600000x64xf32, #tpu.memory_space<hbm>>) dst(%dma_wait3A_563 : memref<832x64xf32, #tpu.memory_space<vmem>>)
    %add3A_571 = arith.constant 6656 : i32
    %add3A_572 = arith.addi %mul3A_2, %add3A_571 : i32
    %dma_wait3A_573 = arith.constant 0 : i32
    %dma_wait3A_574 = arith.constant 0 : i32
    %dma_wait3A_575 = arith.constant 0 : i32
    %dma_wait3A_576 = arith.constant 0 : i32
    %dma_wait3A_577 = tpu.memref_slice %arg6[%dma_wait3A_573, %dma_wait3A_575, %dma_wait3A_576] : memref<2x832x64xf32, #tpu.memory_space<vmem>> -> memref<1x832x64xf32, #tpu.memory_space<vmem>>
    %dma_wait3A_578 = tpu.memref_squeeze %dma_wait3A_577 : memref<1x832x64xf32, #tpu.memory_space<vmem>> -> memref<832x64xf32, #tpu.memory_space<vmem>>
    %dma_wait3A_579 = arith.constant 0 : i32
    %dma_wait3A_580 = tpu.memref_slice %arg4[%add3A_572, %dma_wait3A_579] : memref<425984x64xf32, #tpu.memory_space<hbm>> -> memref<832x64xf32, #tpu.memory_space<hbm>>
    %dma_wait3A_581 = tpu.memref_slice %arg8[%dma_wait3A_574] : memref<2x!tpu.dma_semaphore, #tpu.memory_space<semaphore_mem>> -> memref<1x!tpu.dma_semaphore, #tpu.memory_space<semaphore_mem>>
    %dma_wait3A_582 = tpu.memref_squeeze %dma_wait3A_581 : memref<1x!tpu.dma_semaphore, #tpu.memory_space<semaphore_mem>> -> memref<!tpu.dma_semaphore, #tpu.memory_space<semaphore_mem>>
    %dma_wait3A_583 = arith.constant 0 : i32
    %dma_wait3A_584 = tpu.memref_slice %arg4[%add3A_572, %dma_wait3A_583] : memref<425984x64xf32, #tpu.memory_space<hbm>> -> memref<832x64xf32, #tpu.memory_space<hbm>>
    %dma_wait3A_585 = arith.constant 0 : i32
    %dma_wait3A_586 = arith.constant 0 : i32
    %dma_wait3A_587 = tpu.memref_slice %arg6[%dma_wait3A_573, %dma_wait3A_585, %dma_wait3A_586] : memref<2x832x64xf32, #tpu.memory_space<vmem>> -> memref<1x832x64xf32, #tpu.memory_space<vmem>>
    %dma_wait3A_588 = tpu.memref_squeeze %dma_wait3A_587 : memref<1x832x64xf32, #tpu.memory_space<vmem>> -> memref<832x64xf32, #tpu.memory_space<vmem>>
    tpu.wait_dma2 semaphore(%dma_wait3A_582 : memref<!tpu.dma_semaphore, #tpu.memory_space<semaphore_mem>>) src(%dma_wait3A_588 : memref<832x64xf32, #tpu.memory_space<vmem>>) dst(%dma_wait3A_584 : memref<832x64xf32, #tpu.memory_space<hbm>>)
    %dma_start3A_589 = arith.constant 0 : i32
    %dma_start3A_590 = arith.constant 0 : i32
    %dma_start3A_591 = arith.constant 0 : i32
    %dma_start3A_592 = arith.constant 0 : i32
    %dma_start3A_593 = tpu.memref_slice %arg6[%dma_start3A_589, %dma_start3A_591, %dma_start3A_592] : memref<2x832x64xf32, #tpu.memory_space<vmem>> -> memref<1x832x64xf32, #tpu.memory_space<vmem>>
    %dma_start3A_594 = tpu.memref_squeeze %dma_start3A_593 : memref<1x832x64xf32, #tpu.memory_space<vmem>> -> memref<832x64xf32, #tpu.memory_space<vmem>>
    %dma_start3A_595 = arith.constant 8320 : i32
    %dma_start3A_596 = tpu.memref_slice %arg5[%dma_start3A_595] : memref<13312xi32, #tpu.memory_space<vmem>> -> memref<832xi32, #tpu.memory_space<vmem>>
    %dma_start3A_597 = arith.constant 0 : i32
    %dma_start3A_598 = arith.constant 0 : i32
    %dma_start3A_599 = tpu.memref_slice %arg3[%dma_start3A_597, %dma_start3A_598] : memref<2600000x64xf32, #tpu.memory_space<hbm>> -> memref<2600000x64xf32, #tpu.memory_space<hbm>>
    %dma_start3A_600 = tpu.memref_slice %arg7[%dma_start3A_590] : memref<2x!tpu.dma_semaphore, #tpu.memory_space<semaphore_mem>> -> memref<1x!tpu.dma_semaphore, #tpu.memory_space<semaphore_mem>>
    %dma_start3A_601 = tpu.memref_squeeze %dma_start3A_600 : memref<1x!tpu.dma_semaphore, #tpu.memory_space<semaphore_mem>> -> memref<!tpu.dma_semaphore, #tpu.memory_space<semaphore_mem>>
    tpu.enqueue_indirect_dma source(%dma_start3A_599 : memref<2600000x64xf32, #tpu.memory_space<hbm>>) target(%dma_start3A_594 : memref<832x64xf32, #tpu.memory_space<vmem>>) offsets(%dma_start3A_596 : memref<832xi32, #tpu.memory_space<vmem>>) semaphore(%dma_start3A_601 : memref<!tpu.dma_semaphore, #tpu.memory_space<semaphore_mem>>)
    %add3A_602 = arith.constant 7488 : i32
    %add3A_603 = arith.addi %mul3A_2, %add3A_602 : i32
    %dma_start3A_604 = arith.constant 1 : i32
    %dma_start3A_605 = arith.constant 1 : i32
    %dma_start3A_606 = arith.constant 0 : i32
    %dma_start3A_607 = arith.constant 0 : i32
    %dma_start3A_608 = tpu.memref_slice %arg6[%dma_start3A_604, %dma_start3A_606, %dma_start3A_607] : memref<2x832x64xf32, #tpu.memory_space<vmem>> -> memref<1x832x64xf32, #tpu.memory_space<vmem>>
    %dma_start3A_609 = tpu.memref_squeeze %dma_start3A_608 : memref<1x832x64xf32, #tpu.memory_space<vmem>> -> memref<832x64xf32, #tpu.memory_space<vmem>>
    %dma_start3A_610 = arith.constant 0 : i32
    %dma_start3A_611 = tpu.memref_slice %arg4[%add3A_603, %dma_start3A_610] : memref<425984x64xf32, #tpu.memory_space<hbm>> -> memref<832x64xf32, #tpu.memory_space<hbm>>
    %dma_start3A_612 = tpu.memref_slice %arg8[%dma_start3A_605] : memref<2x!tpu.dma_semaphore, #tpu.memory_space<semaphore_mem>> -> memref<1x!tpu.dma_semaphore, #tpu.memory_space<semaphore_mem>>
    %dma_start3A_613 = tpu.memref_squeeze %dma_start3A_612 : memref<1x!tpu.dma_semaphore, #tpu.memory_space<semaphore_mem>> -> memref<!tpu.dma_semaphore, #tpu.memory_space<semaphore_mem>>
    %dma_start3A_614 = arith.constant 0 : i32
    %dma_start3A_615 = tpu.memref_slice %arg4[%add3A_603, %dma_start3A_614] : memref<425984x64xf32, #tpu.memory_space<hbm>> -> memref<832x64xf32, #tpu.memory_space<hbm>>
    %dma_start3A_616 = arith.constant 0 : i32
    %dma_start3A_617 = arith.constant 0 : i32
    %dma_start3A_618 = tpu.memref_slice %arg6[%dma_start3A_604, %dma_start3A_616, %dma_start3A_617] : memref<2x832x64xf32, #tpu.memory_space<vmem>> -> memref<1x832x64xf32, #tpu.memory_space<vmem>>
    %dma_start3A_619 = tpu.memref_squeeze %dma_start3A_618 : memref<1x832x64xf32, #tpu.memory_space<vmem>> -> memref<832x64xf32, #tpu.memory_space<vmem>>
    tpu.enqueue_dma source(%dma_start3A_619 : memref<832x64xf32, #tpu.memory_space<vmem>>) target(%dma_start3A_615 : memref<832x64xf32, #tpu.memory_space<hbm>>) target_semaphore(%dma_start3A_613 : memref<!tpu.dma_semaphore, #tpu.memory_space<semaphore_mem>>)
    %dma_wait3A_620 = arith.constant 0 : i32
    %dma_wait3A_621 = arith.constant 0 : i32
    %dma_wait3A_622 = arith.constant 0 : i32
    %dma_wait3A_623 = arith.constant 0 : i32
    %dma_wait3A_624 = tpu.memref_slice %arg6[%dma_wait3A_620, %dma_wait3A_622, %dma_wait3A_623] : memref<2x832x64xf32, #tpu.memory_space<vmem>> -> memref<1x832x64xf32, #tpu.memory_space<vmem>>
    %dma_wait3A_625 = tpu.memref_squeeze %dma_wait3A_624 : memref<1x832x64xf32, #tpu.memory_space<vmem>> -> memref<832x64xf32, #tpu.memory_space<vmem>>
    %dma_wait3A_626 = arith.constant 8320 : i32
    %dma_wait3A_627 = tpu.memref_slice %arg5[%dma_wait3A_626] : memref<13312xi32, #tpu.memory_space<vmem>> -> memref<832xi32, #tpu.memory_space<vmem>>
    %dma_wait3A_628 = arith.constant 0 : i32
    %dma_wait3A_629 = arith.constant 0 : i32
    %dma_wait3A_630 = tpu.memref_slice %arg3[%dma_wait3A_628, %dma_wait3A_629] : memref<2600000x64xf32, #tpu.memory_space<hbm>> -> memref<2600000x64xf32, #tpu.memory_space<hbm>>
    %dma_wait3A_631 = tpu.memref_slice %arg7[%dma_wait3A_621] : memref<2x!tpu.dma_semaphore, #tpu.memory_space<semaphore_mem>> -> memref<1x!tpu.dma_semaphore, #tpu.memory_space<semaphore_mem>>
    %dma_wait3A_632 = tpu.memref_squeeze %dma_wait3A_631 : memref<1x!tpu.dma_semaphore, #tpu.memory_space<semaphore_mem>> -> memref<!tpu.dma_semaphore, #tpu.memory_space<semaphore_mem>>
    tpu.wait_indirect_dma semaphore(%dma_wait3A_632 : memref<!tpu.dma_semaphore, #tpu.memory_space<semaphore_mem>>) src(%dma_wait3A_630 : memref<2600000x64xf32, #tpu.memory_space<hbm>>) dst(%dma_wait3A_625 : memref<832x64xf32, #tpu.memory_space<vmem>>)
    %add3A_633 = arith.constant 7488 : i32
    %add3A_634 = arith.addi %mul3A_2, %add3A_633 : i32
    %dma_wait3A_635 = arith.constant 1 : i32
    %dma_wait3A_636 = arith.constant 1 : i32
    %dma_wait3A_637 = arith.constant 0 : i32
    %dma_wait3A_638 = arith.constant 0 : i32
    %dma_wait3A_639 = tpu.memref_slice %arg6[%dma_wait3A_635, %dma_wait3A_637, %dma_wait3A_638] : memref<2x832x64xf32, #tpu.memory_space<vmem>> -> memref<1x832x64xf32, #tpu.memory_space<vmem>>
    %dma_wait3A_640 = tpu.memref_squeeze %dma_wait3A_639 : memref<1x832x64xf32, #tpu.memory_space<vmem>> -> memref<832x64xf32, #tpu.memory_space<vmem>>
    %dma_wait3A_641 = arith.constant 0 : i32
    %dma_wait3A_642 = tpu.memref_slice %arg4[%add3A_634, %dma_wait3A_641] : memref<425984x64xf32, #tpu.memory_space<hbm>> -> memref<832x64xf32, #tpu.memory_space<hbm>>
    %dma_wait3A_643 = tpu.memref_slice %arg8[%dma_wait3A_636] : memref<2x!tpu.dma_semaphore, #tpu.memory_space<semaphore_mem>> -> memref<1x!tpu.dma_semaphore, #tpu.memory_space<semaphore_mem>>
    %dma_wait3A_644 = tpu.memref_squeeze %dma_wait3A_643 : memref<1x!tpu.dma_semaphore, #tpu.memory_space<semaphore_mem>> -> memref<!tpu.dma_semaphore, #tpu.memory_space<semaphore_mem>>
    %dma_wait3A_645 = arith.constant 0 : i32
    %dma_wait3A_646 = tpu.memref_slice %arg4[%add3A_634, %dma_wait3A_645] : memref<425984x64xf32, #tpu.memory_space<hbm>> -> memref<832x64xf32, #tpu.memory_space<hbm>>
    %dma_wait3A_647 = arith.constant 0 : i32
    %dma_wait3A_648 = arith.constant 0 : i32
    %dma_wait3A_649 = tpu.memref_slice %arg6[%dma_wait3A_635, %dma_wait3A_647, %dma_wait3A_648] : memref<2x832x64xf32, #tpu.memory_space<vmem>> -> memref<1x832x64xf32, #tpu.memory_space<vmem>>
    %dma_wait3A_650 = tpu.memref_squeeze %dma_wait3A_649 : memref<1x832x64xf32, #tpu.memory_space<vmem>> -> memref<832x64xf32, #tpu.memory_space<vmem>>
    tpu.wait_dma2 semaphore(%dma_wait3A_644 : memref<!tpu.dma_semaphore, #tpu.memory_space<semaphore_mem>>) src(%dma_wait3A_650 : memref<832x64xf32, #tpu.memory_space<vmem>>) dst(%dma_wait3A_646 : memref<832x64xf32, #tpu.memory_space<hbm>>)
    %dma_start3A_651 = arith.constant 1 : i32
    %dma_start3A_652 = arith.constant 1 : i32
    %dma_start3A_653 = arith.constant 0 : i32
    %dma_start3A_654 = arith.constant 0 : i32
    %dma_start3A_655 = tpu.memref_slice %arg6[%dma_start3A_651, %dma_start3A_653, %dma_start3A_654] : memref<2x832x64xf32, #tpu.memory_space<vmem>> -> memref<1x832x64xf32, #tpu.memory_space<vmem>>
    %dma_start3A_656 = tpu.memref_squeeze %dma_start3A_655 : memref<1x832x64xf32, #tpu.memory_space<vmem>> -> memref<832x64xf32, #tpu.memory_space<vmem>>
    %dma_start3A_657 = arith.constant 9152 : i32
    %dma_start3A_658 = tpu.memref_slice %arg5[%dma_start3A_657] : memref<13312xi32, #tpu.memory_space<vmem>> -> memref<832xi32, #tpu.memory_space<vmem>>
    %dma_start3A_659 = arith.constant 0 : i32
    %dma_start3A_660 = arith.constant 0 : i32
    %dma_start3A_661 = tpu.memref_slice %arg3[%dma_start3A_659, %dma_start3A_660] : memref<2600000x64xf32, #tpu.memory_space<hbm>> -> memref<2600000x64xf32, #tpu.memory_space<hbm>>
    %dma_start3A_662 = tpu.memref_slice %arg7[%dma_start3A_652] : memref<2x!tpu.dma_semaphore, #tpu.memory_space<semaphore_mem>> -> memref<1x!tpu.dma_semaphore, #tpu.memory_space<semaphore_mem>>
    %dma_start3A_663 = tpu.memref_squeeze %dma_start3A_662 : memref<1x!tpu.dma_semaphore, #tpu.memory_space<semaphore_mem>> -> memref<!tpu.dma_semaphore, #tpu.memory_space<semaphore_mem>>
    tpu.enqueue_indirect_dma source(%dma_start3A_661 : memref<2600000x64xf32, #tpu.memory_space<hbm>>) target(%dma_start3A_656 : memref<832x64xf32, #tpu.memory_space<vmem>>) offsets(%dma_start3A_658 : memref<832xi32, #tpu.memory_space<vmem>>) semaphore(%dma_start3A_663 : memref<!tpu.dma_semaphore, #tpu.memory_space<semaphore_mem>>)
    %add3A_664 = arith.constant 8320 : i32
    %add3A_665 = arith.addi %mul3A_2, %add3A_664 : i32
    %dma_start3A_666 = arith.constant 0 : i32
    %dma_start3A_667 = arith.constant 0 : i32
    %dma_start3A_668 = arith.constant 0 : i32
    %dma_start3A_669 = arith.constant 0 : i32
    %dma_start3A_670 = tpu.memref_slice %arg6[%dma_start3A_666, %dma_start3A_668, %dma_start3A_669] : memref<2x832x64xf32, #tpu.memory_space<vmem>> -> memref<1x832x64xf32, #tpu.memory_space<vmem>>
    %dma_start3A_671 = tpu.memref_squeeze %dma_start3A_670 : memref<1x832x64xf32, #tpu.memory_space<vmem>> -> memref<832x64xf32, #tpu.memory_space<vmem>>
    %dma_start3A_672 = arith.constant 0 : i32
    %dma_start3A_673 = tpu.memref_slice %arg4[%add3A_665, %dma_start3A_672] : memref<425984x64xf32, #tpu.memory_space<hbm>> -> memref<832x64xf32, #tpu.memory_space<hbm>>
    %dma_start3A_674 = tpu.memref_slice %arg8[%dma_start3A_667] : memref<2x!tpu.dma_semaphore, #tpu.memory_space<semaphore_mem>> -> memref<1x!tpu.dma_semaphore, #tpu.memory_space<semaphore_mem>>
    %dma_start3A_675 = tpu.memref_squeeze %dma_start3A_674 : memref<1x!tpu.dma_semaphore, #tpu.memory_space<semaphore_mem>> -> memref<!tpu.dma_semaphore, #tpu.memory_space<semaphore_mem>>
    %dma_start3A_676 = arith.constant 0 : i32
    %dma_start3A_677 = tpu.memref_slice %arg4[%add3A_665, %dma_start3A_676] : memref<425984x64xf32, #tpu.memory_space<hbm>> -> memref<832x64xf32, #tpu.memory_space<hbm>>
    %dma_start3A_678 = arith.constant 0 : i32
    %dma_start3A_679 = arith.constant 0 : i32
    %dma_start3A_680 = tpu.memref_slice %arg6[%dma_start3A_666, %dma_start3A_678, %dma_start3A_679] : memref<2x832x64xf32, #tpu.memory_space<vmem>> -> memref<1x832x64xf32, #tpu.memory_space<vmem>>
    %dma_start3A_681 = tpu.memref_squeeze %dma_start3A_680 : memref<1x832x64xf32, #tpu.memory_space<vmem>> -> memref<832x64xf32, #tpu.memory_space<vmem>>
    tpu.enqueue_dma source(%dma_start3A_681 : memref<832x64xf32, #tpu.memory_space<vmem>>) target(%dma_start3A_677 : memref<832x64xf32, #tpu.memory_space<hbm>>) target_semaphore(%dma_start3A_675 : memref<!tpu.dma_semaphore, #tpu.memory_space<semaphore_mem>>)
    %dma_wait3A_682 = arith.constant 1 : i32
    %dma_wait3A_683 = arith.constant 1 : i32
    %dma_wait3A_684 = arith.constant 0 : i32
    %dma_wait3A_685 = arith.constant 0 : i32
    %dma_wait3A_686 = tpu.memref_slice %arg6[%dma_wait3A_682, %dma_wait3A_684, %dma_wait3A_685] : memref<2x832x64xf32, #tpu.memory_space<vmem>> -> memref<1x832x64xf32, #tpu.memory_space<vmem>>
    %dma_wait3A_687 = tpu.memref_squeeze %dma_wait3A_686 : memref<1x832x64xf32, #tpu.memory_space<vmem>> -> memref<832x64xf32, #tpu.memory_space<vmem>>
    %dma_wait3A_688 = arith.constant 9152 : i32
    %dma_wait3A_689 = tpu.memref_slice %arg5[%dma_wait3A_688] : memref<13312xi32, #tpu.memory_space<vmem>> -> memref<832xi32, #tpu.memory_space<vmem>>
    %dma_wait3A_690 = arith.constant 0 : i32
    %dma_wait3A_691 = arith.constant 0 : i32
    %dma_wait3A_692 = tpu.memref_slice %arg3[%dma_wait3A_690, %dma_wait3A_691] : memref<2600000x64xf32, #tpu.memory_space<hbm>> -> memref<2600000x64xf32, #tpu.memory_space<hbm>>
    %dma_wait3A_693 = tpu.memref_slice %arg7[%dma_wait3A_683] : memref<2x!tpu.dma_semaphore, #tpu.memory_space<semaphore_mem>> -> memref<1x!tpu.dma_semaphore, #tpu.memory_space<semaphore_mem>>
    %dma_wait3A_694 = tpu.memref_squeeze %dma_wait3A_693 : memref<1x!tpu.dma_semaphore, #tpu.memory_space<semaphore_mem>> -> memref<!tpu.dma_semaphore, #tpu.memory_space<semaphore_mem>>
    tpu.wait_indirect_dma semaphore(%dma_wait3A_694 : memref<!tpu.dma_semaphore, #tpu.memory_space<semaphore_mem>>) src(%dma_wait3A_692 : memref<2600000x64xf32, #tpu.memory_space<hbm>>) dst(%dma_wait3A_687 : memref<832x64xf32, #tpu.memory_space<vmem>>)
    %add3A_695 = arith.constant 8320 : i32
    %add3A_696 = arith.addi %mul3A_2, %add3A_695 : i32
    %dma_wait3A_697 = arith.constant 0 : i32
    %dma_wait3A_698 = arith.constant 0 : i32
    %dma_wait3A_699 = arith.constant 0 : i32
    %dma_wait3A_700 = arith.constant 0 : i32
    %dma_wait3A_701 = tpu.memref_slice %arg6[%dma_wait3A_697, %dma_wait3A_699, %dma_wait3A_700] : memref<2x832x64xf32, #tpu.memory_space<vmem>> -> memref<1x832x64xf32, #tpu.memory_space<vmem>>
    %dma_wait3A_702 = tpu.memref_squeeze %dma_wait3A_701 : memref<1x832x64xf32, #tpu.memory_space<vmem>> -> memref<832x64xf32, #tpu.memory_space<vmem>>
    %dma_wait3A_703 = arith.constant 0 : i32
    %dma_wait3A_704 = tpu.memref_slice %arg4[%add3A_696, %dma_wait3A_703] : memref<425984x64xf32, #tpu.memory_space<hbm>> -> memref<832x64xf32, #tpu.memory_space<hbm>>
    %dma_wait3A_705 = tpu.memref_slice %arg8[%dma_wait3A_698] : memref<2x!tpu.dma_semaphore, #tpu.memory_space<semaphore_mem>> -> memref<1x!tpu.dma_semaphore, #tpu.memory_space<semaphore_mem>>
    %dma_wait3A_706 = tpu.memref_squeeze %dma_wait3A_705 : memref<1x!tpu.dma_semaphore, #tpu.memory_space<semaphore_mem>> -> memref<!tpu.dma_semaphore, #tpu.memory_space<semaphore_mem>>
    %dma_wait3A_707 = arith.constant 0 : i32
    %dma_wait3A_708 = tpu.memref_slice %arg4[%add3A_696, %dma_wait3A_707] : memref<425984x64xf32, #tpu.memory_space<hbm>> -> memref<832x64xf32, #tpu.memory_space<hbm>>
    %dma_wait3A_709 = arith.constant 0 : i32
    %dma_wait3A_710 = arith.constant 0 : i32
    %dma_wait3A_711 = tpu.memref_slice %arg6[%dma_wait3A_697, %dma_wait3A_709, %dma_wait3A_710] : memref<2x832x64xf32, #tpu.memory_space<vmem>> -> memref<1x832x64xf32, #tpu.memory_space<vmem>>
    %dma_wait3A_712 = tpu.memref_squeeze %dma_wait3A_711 : memref<1x832x64xf32, #tpu.memory_space<vmem>> -> memref<832x64xf32, #tpu.memory_space<vmem>>
    tpu.wait_dma2 semaphore(%dma_wait3A_706 : memref<!tpu.dma_semaphore, #tpu.memory_space<semaphore_mem>>) src(%dma_wait3A_712 : memref<832x64xf32, #tpu.memory_space<vmem>>) dst(%dma_wait3A_708 : memref<832x64xf32, #tpu.memory_space<hbm>>)
    %dma_start3A_713 = arith.constant 0 : i32
    %dma_start3A_714 = arith.constant 0 : i32
    %dma_start3A_715 = arith.constant 0 : i32
    %dma_start3A_716 = arith.constant 0 : i32
    %dma_start3A_717 = tpu.memref_slice %arg6[%dma_start3A_713, %dma_start3A_715, %dma_start3A_716] : memref<2x832x64xf32, #tpu.memory_space<vmem>> -> memref<1x832x64xf32, #tpu.memory_space<vmem>>
    %dma_start3A_718 = tpu.memref_squeeze %dma_start3A_717 : memref<1x832x64xf32, #tpu.memory_space<vmem>> -> memref<832x64xf32, #tpu.memory_space<vmem>>
    %dma_start3A_719 = arith.constant 9984 : i32
    %dma_start3A_720 = tpu.memref_slice %arg5[%dma_start3A_719] : memref<13312xi32, #tpu.memory_space<vmem>> -> memref<832xi32, #tpu.memory_space<vmem>>
    %dma_start3A_721 = arith.constant 0 : i32
    %dma_start3A_722 = arith.constant 0 : i32
    %dma_start3A_723 = tpu.memref_slice %arg3[%dma_start3A_721, %dma_start3A_722] : memref<2600000x64xf32, #tpu.memory_space<hbm>> -> memref<2600000x64xf32, #tpu.memory_space<hbm>>
    %dma_start3A_724 = tpu.memref_slice %arg7[%dma_start3A_714] : memref<2x!tpu.dma_semaphore, #tpu.memory_space<semaphore_mem>> -> memref<1x!tpu.dma_semaphore, #tpu.memory_space<semaphore_mem>>
    %dma_start3A_725 = tpu.memref_squeeze %dma_start3A_724 : memref<1x!tpu.dma_semaphore, #tpu.memory_space<semaphore_mem>> -> memref<!tpu.dma_semaphore, #tpu.memory_space<semaphore_mem>>
    tpu.enqueue_indirect_dma source(%dma_start3A_723 : memref<2600000x64xf32, #tpu.memory_space<hbm>>) target(%dma_start3A_718 : memref<832x64xf32, #tpu.memory_space<vmem>>) offsets(%dma_start3A_720 : memref<832xi32, #tpu.memory_space<vmem>>) semaphore(%dma_start3A_725 : memref<!tpu.dma_semaphore, #tpu.memory_space<semaphore_mem>>)
    %add3A_726 = arith.constant 9152 : i32
    %add3A_727 = arith.addi %mul3A_2, %add3A_726 : i32
    %dma_start3A_728 = arith.constant 1 : i32
    %dma_start3A_729 = arith.constant 1 : i32
    %dma_start3A_730 = arith.constant 0 : i32
    %dma_start3A_731 = arith.constant 0 : i32
    %dma_start3A_732 = tpu.memref_slice %arg6[%dma_start3A_728, %dma_start3A_730, %dma_start3A_731] : memref<2x832x64xf32, #tpu.memory_space<vmem>> -> memref<1x832x64xf32, #tpu.memory_space<vmem>>
    %dma_start3A_733 = tpu.memref_squeeze %dma_start3A_732 : memref<1x832x64xf32, #tpu.memory_space<vmem>> -> memref<832x64xf32, #tpu.memory_space<vmem>>
    %dma_start3A_734 = arith.constant 0 : i32
    %dma_start3A_735 = tpu.memref_slice %arg4[%add3A_727, %dma_start3A_734] : memref<425984x64xf32, #tpu.memory_space<hbm>> -> memref<832x64xf32, #tpu.memory_space<hbm>>
    %dma_start3A_736 = tpu.memref_slice %arg8[%dma_start3A_729] : memref<2x!tpu.dma_semaphore, #tpu.memory_space<semaphore_mem>> -> memref<1x!tpu.dma_semaphore, #tpu.memory_space<semaphore_mem>>
    %dma_start3A_737 = tpu.memref_squeeze %dma_start3A_736 : memref<1x!tpu.dma_semaphore, #tpu.memory_space<semaphore_mem>> -> memref<!tpu.dma_semaphore, #tpu.memory_space<semaphore_mem>>
    %dma_start3A_738 = arith.constant 0 : i32
    %dma_start3A_739 = tpu.memref_slice %arg4[%add3A_727, %dma_start3A_738] : memref<425984x64xf32, #tpu.memory_space<hbm>> -> memref<832x64xf32, #tpu.memory_space<hbm>>
    %dma_start3A_740 = arith.constant 0 : i32
    %dma_start3A_741 = arith.constant 0 : i32
    %dma_start3A_742 = tpu.memref_slice %arg6[%dma_start3A_728, %dma_start3A_740, %dma_start3A_741] : memref<2x832x64xf32, #tpu.memory_space<vmem>> -> memref<1x832x64xf32, #tpu.memory_space<vmem>>
    %dma_start3A_743 = tpu.memref_squeeze %dma_start3A_742 : memref<1x832x64xf32, #tpu.memory_space<vmem>> -> memref<832x64xf32, #tpu.memory_space<vmem>>
    tpu.enqueue_dma source(%dma_start3A_743 : memref<832x64xf32, #tpu.memory_space<vmem>>) target(%dma_start3A_739 : memref<832x64xf32, #tpu.memory_space<hbm>>) target_semaphore(%dma_start3A_737 : memref<!tpu.dma_semaphore, #tpu.memory_space<semaphore_mem>>)
    %dma_wait3A_744 = arith.constant 0 : i32
    %dma_wait3A_745 = arith.constant 0 : i32
    %dma_wait3A_746 = arith.constant 0 : i32
    %dma_wait3A_747 = arith.constant 0 : i32
    %dma_wait3A_748 = tpu.memref_slice %arg6[%dma_wait3A_744, %dma_wait3A_746, %dma_wait3A_747] : memref<2x832x64xf32, #tpu.memory_space<vmem>> -> memref<1x832x64xf32, #tpu.memory_space<vmem>>
    %dma_wait3A_749 = tpu.memref_squeeze %dma_wait3A_748 : memref<1x832x64xf32, #tpu.memory_space<vmem>> -> memref<832x64xf32, #tpu.memory_space<vmem>>
    %dma_wait3A_750 = arith.constant 9984 : i32
    %dma_wait3A_751 = tpu.memref_slice %arg5[%dma_wait3A_750] : memref<13312xi32, #tpu.memory_space<vmem>> -> memref<832xi32, #tpu.memory_space<vmem>>
    %dma_wait3A_752 = arith.constant 0 : i32
    %dma_wait3A_753 = arith.constant 0 : i32
    %dma_wait3A_754 = tpu.memref_slice %arg3[%dma_wait3A_752, %dma_wait3A_753] : memref<2600000x64xf32, #tpu.memory_space<hbm>> -> memref<2600000x64xf32, #tpu.memory_space<hbm>>
    %dma_wait3A_755 = tpu.memref_slice %arg7[%dma_wait3A_745] : memref<2x!tpu.dma_semaphore, #tpu.memory_space<semaphore_mem>> -> memref<1x!tpu.dma_semaphore, #tpu.memory_space<semaphore_mem>>
    %dma_wait3A_756 = tpu.memref_squeeze %dma_wait3A_755 : memref<1x!tpu.dma_semaphore, #tpu.memory_space<semaphore_mem>> -> memref<!tpu.dma_semaphore, #tpu.memory_space<semaphore_mem>>
    tpu.wait_indirect_dma semaphore(%dma_wait3A_756 : memref<!tpu.dma_semaphore, #tpu.memory_space<semaphore_mem>>) src(%dma_wait3A_754 : memref<2600000x64xf32, #tpu.memory_space<hbm>>) dst(%dma_wait3A_749 : memref<832x64xf32, #tpu.memory_space<vmem>>)
    %add3A_757 = arith.constant 9152 : i32
    %add3A_758 = arith.addi %mul3A_2, %add3A_757 : i32
    %dma_wait3A_759 = arith.constant 1 : i32
    %dma_wait3A_760 = arith.constant 1 : i32
    %dma_wait3A_761 = arith.constant 0 : i32
    %dma_wait3A_762 = arith.constant 0 : i32
    %dma_wait3A_763 = tpu.memref_slice %arg6[%dma_wait3A_759, %dma_wait3A_761, %dma_wait3A_762] : memref<2x832x64xf32, #tpu.memory_space<vmem>> -> memref<1x832x64xf32, #tpu.memory_space<vmem>>
    %dma_wait3A_764 = tpu.memref_squeeze %dma_wait3A_763 : memref<1x832x64xf32, #tpu.memory_space<vmem>> -> memref<832x64xf32, #tpu.memory_space<vmem>>
    %dma_wait3A_765 = arith.constant 0 : i32
    %dma_wait3A_766 = tpu.memref_slice %arg4[%add3A_758, %dma_wait3A_765] : memref<425984x64xf32, #tpu.memory_space<hbm>> -> memref<832x64xf32, #tpu.memory_space<hbm>>
    %dma_wait3A_767 = tpu.memref_slice %arg8[%dma_wait3A_760] : memref<2x!tpu.dma_semaphore, #tpu.memory_space<semaphore_mem>> -> memref<1x!tpu.dma_semaphore, #tpu.memory_space<semaphore_mem>>
    %dma_wait3A_768 = tpu.memref_squeeze %dma_wait3A_767 : memref<1x!tpu.dma_semaphore, #tpu.memory_space<semaphore_mem>> -> memref<!tpu.dma_semaphore, #tpu.memory_space<semaphore_mem>>
    %dma_wait3A_769 = arith.constant 0 : i32
    %dma_wait3A_770 = tpu.memref_slice %arg4[%add3A_758, %dma_wait3A_769] : memref<425984x64xf32, #tpu.memory_space<hbm>> -> memref<832x64xf32, #tpu.memory_space<hbm>>
    %dma_wait3A_771 = arith.constant 0 : i32
    %dma_wait3A_772 = arith.constant 0 : i32
    %dma_wait3A_773 = tpu.memref_slice %arg6[%dma_wait3A_759, %dma_wait3A_771, %dma_wait3A_772] : memref<2x832x64xf32, #tpu.memory_space<vmem>> -> memref<1x832x64xf32, #tpu.memory_space<vmem>>
    %dma_wait3A_774 = tpu.memref_squeeze %dma_wait3A_773 : memref<1x832x64xf32, #tpu.memory_space<vmem>> -> memref<832x64xf32, #tpu.memory_space<vmem>>
    tpu.wait_dma2 semaphore(%dma_wait3A_768 : memref<!tpu.dma_semaphore, #tpu.memory_space<semaphore_mem>>) src(%dma_wait3A_774 : memref<832x64xf32, #tpu.memory_space<vmem>>) dst(%dma_wait3A_770 : memref<832x64xf32, #tpu.memory_space<hbm>>)
    %dma_start3A_775 = arith.constant 1 : i32
    %dma_start3A_776 = arith.constant 1 : i32
    %dma_start3A_777 = arith.constant 0 : i32
    %dma_start3A_778 = arith.constant 0 : i32
    %dma_start3A_779 = tpu.memref_slice %arg6[%dma_start3A_775, %dma_start3A_777, %dma_start3A_778] : memref<2x832x64xf32, #tpu.memory_space<vmem>> -> memref<1x832x64xf32, #tpu.memory_space<vmem>>
    %dma_start3A_780 = tpu.memref_squeeze %dma_start3A_779 : memref<1x832x64xf32, #tpu.memory_space<vmem>> -> memref<832x64xf32, #tpu.memory_space<vmem>>
    %dma_start3A_781 = arith.constant 10816 : i32
    %dma_start3A_782 = tpu.memref_slice %arg5[%dma_start3A_781] : memref<13312xi32, #tpu.memory_space<vmem>> -> memref<832xi32, #tpu.memory_space<vmem>>
    %dma_start3A_783 = arith.constant 0 : i32
    %dma_start3A_784 = arith.constant 0 : i32
    %dma_start3A_785 = tpu.memref_slice %arg3[%dma_start3A_783, %dma_start3A_784] : memref<2600000x64xf32, #tpu.memory_space<hbm>> -> memref<2600000x64xf32, #tpu.memory_space<hbm>>
    %dma_start3A_786 = tpu.memref_slice %arg7[%dma_start3A_776] : memref<2x!tpu.dma_semaphore, #tpu.memory_space<semaphore_mem>> -> memref<1x!tpu.dma_semaphore, #tpu.memory_space<semaphore_mem>>
    %dma_start3A_787 = tpu.memref_squeeze %dma_start3A_786 : memref<1x!tpu.dma_semaphore, #tpu.memory_space<semaphore_mem>> -> memref<!tpu.dma_semaphore, #tpu.memory_space<semaphore_mem>>
    tpu.enqueue_indirect_dma source(%dma_start3A_785 : memref<2600000x64xf32, #tpu.memory_space<hbm>>) target(%dma_start3A_780 : memref<832x64xf32, #tpu.memory_space<vmem>>) offsets(%dma_start3A_782 : memref<832xi32, #tpu.memory_space<vmem>>) semaphore(%dma_start3A_787 : memref<!tpu.dma_semaphore, #tpu.memory_space<semaphore_mem>>)
    %add3A_788 = arith.constant 9984 : i32
    %add3A_789 = arith.addi %mul3A_2, %add3A_788 : i32
    %dma_start3A_790 = arith.constant 0 : i32
    %dma_start3A_791 = arith.constant 0 : i32
    %dma_start3A_792 = arith.constant 0 : i32
    %dma_start3A_793 = arith.constant 0 : i32
    %dma_start3A_794 = tpu.memref_slice %arg6[%dma_start3A_790, %dma_start3A_792, %dma_start3A_793] : memref<2x832x64xf32, #tpu.memory_space<vmem>> -> memref<1x832x64xf32, #tpu.memory_space<vmem>>
    %dma_start3A_795 = tpu.memref_squeeze %dma_start3A_794 : memref<1x832x64xf32, #tpu.memory_space<vmem>> -> memref<832x64xf32, #tpu.memory_space<vmem>>
    %dma_start3A_796 = arith.constant 0 : i32
    %dma_start3A_797 = tpu.memref_slice %arg4[%add3A_789, %dma_start3A_796] : memref<425984x64xf32, #tpu.memory_space<hbm>> -> memref<832x64xf32, #tpu.memory_space<hbm>>
    %dma_start3A_798 = tpu.memref_slice %arg8[%dma_start3A_791] : memref<2x!tpu.dma_semaphore, #tpu.memory_space<semaphore_mem>> -> memref<1x!tpu.dma_semaphore, #tpu.memory_space<semaphore_mem>>
    %dma_start3A_799 = tpu.memref_squeeze %dma_start3A_798 : memref<1x!tpu.dma_semaphore, #tpu.memory_space<semaphore_mem>> -> memref<!tpu.dma_semaphore, #tpu.memory_space<semaphore_mem>>
    %dma_start3A_800 = arith.constant 0 : i32
    %dma_start3A_801 = tpu.memref_slice %arg4[%add3A_789, %dma_start3A_800] : memref<425984x64xf32, #tpu.memory_space<hbm>> -> memref<832x64xf32, #tpu.memory_space<hbm>>
    %dma_start3A_802 = arith.constant 0 : i32
    %dma_start3A_803 = arith.constant 0 : i32
    %dma_start3A_804 = tpu.memref_slice %arg6[%dma_start3A_790, %dma_start3A_802, %dma_start3A_803] : memref<2x832x64xf32, #tpu.memory_space<vmem>> -> memref<1x832x64xf32, #tpu.memory_space<vmem>>
    %dma_start3A_805 = tpu.memref_squeeze %dma_start3A_804 : memref<1x832x64xf32, #tpu.memory_space<vmem>> -> memref<832x64xf32, #tpu.memory_space<vmem>>
    tpu.enqueue_dma source(%dma_start3A_805 : memref<832x64xf32, #tpu.memory_space<vmem>>) target(%dma_start3A_801 : memref<832x64xf32, #tpu.memory_space<hbm>>) target_semaphore(%dma_start3A_799 : memref<!tpu.dma_semaphore, #tpu.memory_space<semaphore_mem>>)
    %dma_wait3A_806 = arith.constant 1 : i32
    %dma_wait3A_807 = arith.constant 1 : i32
    %dma_wait3A_808 = arith.constant 0 : i32
    %dma_wait3A_809 = arith.constant 0 : i32
    %dma_wait3A_810 = tpu.memref_slice %arg6[%dma_wait3A_806, %dma_wait3A_808, %dma_wait3A_809] : memref<2x832x64xf32, #tpu.memory_space<vmem>> -> memref<1x832x64xf32, #tpu.memory_space<vmem>>
    %dma_wait3A_811 = tpu.memref_squeeze %dma_wait3A_810 : memref<1x832x64xf32, #tpu.memory_space<vmem>> -> memref<832x64xf32, #tpu.memory_space<vmem>>
    %dma_wait3A_812 = arith.constant 10816 : i32
    %dma_wait3A_813 = tpu.memref_slice %arg5[%dma_wait3A_812] : memref<13312xi32, #tpu.memory_space<vmem>> -> memref<832xi32, #tpu.memory_space<vmem>>
    %dma_wait3A_814 = arith.constant 0 : i32
    %dma_wait3A_815 = arith.constant 0 : i32
    %dma_wait3A_816 = tpu.memref_slice %arg3[%dma_wait3A_814, %dma_wait3A_815] : memref<2600000x64xf32, #tpu.memory_space<hbm>> -> memref<2600000x64xf32, #tpu.memory_space<hbm>>
    %dma_wait3A_817 = tpu.memref_slice %arg7[%dma_wait3A_807] : memref<2x!tpu.dma_semaphore, #tpu.memory_space<semaphore_mem>> -> memref<1x!tpu.dma_semaphore, #tpu.memory_space<semaphore_mem>>
    %dma_wait3A_818 = tpu.memref_squeeze %dma_wait3A_817 : memref<1x!tpu.dma_semaphore, #tpu.memory_space<semaphore_mem>> -> memref<!tpu.dma_semaphore, #tpu.memory_space<semaphore_mem>>
    tpu.wait_indirect_dma semaphore(%dma_wait3A_818 : memref<!tpu.dma_semaphore, #tpu.memory_space<semaphore_mem>>) src(%dma_wait3A_816 : memref<2600000x64xf32, #tpu.memory_space<hbm>>) dst(%dma_wait3A_811 : memref<832x64xf32, #tpu.memory_space<vmem>>)
    %add3A_819 = arith.constant 9984 : i32
    %add3A_820 = arith.addi %mul3A_2, %add3A_819 : i32
    %dma_wait3A_821 = arith.constant 0 : i32
    %dma_wait3A_822 = arith.constant 0 : i32
    %dma_wait3A_823 = arith.constant 0 : i32
    %dma_wait3A_824 = arith.constant 0 : i32
    %dma_wait3A_825 = tpu.memref_slice %arg6[%dma_wait3A_821, %dma_wait3A_823, %dma_wait3A_824] : memref<2x832x64xf32, #tpu.memory_space<vmem>> -> memref<1x832x64xf32, #tpu.memory_space<vmem>>
    %dma_wait3A_826 = tpu.memref_squeeze %dma_wait3A_825 : memref<1x832x64xf32, #tpu.memory_space<vmem>> -> memref<832x64xf32, #tpu.memory_space<vmem>>
    %dma_wait3A_827 = arith.constant 0 : i32
    %dma_wait3A_828 = tpu.memref_slice %arg4[%add3A_820, %dma_wait3A_827] : memref<425984x64xf32, #tpu.memory_space<hbm>> -> memref<832x64xf32, #tpu.memory_space<hbm>>
    %dma_wait3A_829 = tpu.memref_slice %arg8[%dma_wait3A_822] : memref<2x!tpu.dma_semaphore, #tpu.memory_space<semaphore_mem>> -> memref<1x!tpu.dma_semaphore, #tpu.memory_space<semaphore_mem>>
    %dma_wait3A_830 = tpu.memref_squeeze %dma_wait3A_829 : memref<1x!tpu.dma_semaphore, #tpu.memory_space<semaphore_mem>> -> memref<!tpu.dma_semaphore, #tpu.memory_space<semaphore_mem>>
    %dma_wait3A_831 = arith.constant 0 : i32
    %dma_wait3A_832 = tpu.memref_slice %arg4[%add3A_820, %dma_wait3A_831] : memref<425984x64xf32, #tpu.memory_space<hbm>> -> memref<832x64xf32, #tpu.memory_space<hbm>>
    %dma_wait3A_833 = arith.constant 0 : i32
    %dma_wait3A_834 = arith.constant 0 : i32
    %dma_wait3A_835 = tpu.memref_slice %arg6[%dma_wait3A_821, %dma_wait3A_833, %dma_wait3A_834] : memref<2x832x64xf32, #tpu.memory_space<vmem>> -> memref<1x832x64xf32, #tpu.memory_space<vmem>>
    %dma_wait3A_836 = tpu.memref_squeeze %dma_wait3A_835 : memref<1x832x64xf32, #tpu.memory_space<vmem>> -> memref<832x64xf32, #tpu.memory_space<vmem>>
    tpu.wait_dma2 semaphore(%dma_wait3A_830 : memref<!tpu.dma_semaphore, #tpu.memory_space<semaphore_mem>>) src(%dma_wait3A_836 : memref<832x64xf32, #tpu.memory_space<vmem>>) dst(%dma_wait3A_832 : memref<832x64xf32, #tpu.memory_space<hbm>>)
    %dma_start3A_837 = arith.constant 0 : i32
    %dma_start3A_838 = arith.constant 0 : i32
    %dma_start3A_839 = arith.constant 0 : i32
    %dma_start3A_840 = arith.constant 0 : i32
    %dma_start3A_841 = tpu.memref_slice %arg6[%dma_start3A_837, %dma_start3A_839, %dma_start3A_840] : memref<2x832x64xf32, #tpu.memory_space<vmem>> -> memref<1x832x64xf32, #tpu.memory_space<vmem>>
    %dma_start3A_842 = tpu.memref_squeeze %dma_start3A_841 : memref<1x832x64xf32, #tpu.memory_space<vmem>> -> memref<832x64xf32, #tpu.memory_space<vmem>>
    %dma_start3A_843 = arith.constant 11648 : i32
    %dma_start3A_844 = tpu.memref_slice %arg5[%dma_start3A_843] : memref<13312xi32, #tpu.memory_space<vmem>> -> memref<832xi32, #tpu.memory_space<vmem>>
    %dma_start3A_845 = arith.constant 0 : i32
    %dma_start3A_846 = arith.constant 0 : i32
    %dma_start3A_847 = tpu.memref_slice %arg3[%dma_start3A_845, %dma_start3A_846] : memref<2600000x64xf32, #tpu.memory_space<hbm>> -> memref<2600000x64xf32, #tpu.memory_space<hbm>>
    %dma_start3A_848 = tpu.memref_slice %arg7[%dma_start3A_838] : memref<2x!tpu.dma_semaphore, #tpu.memory_space<semaphore_mem>> -> memref<1x!tpu.dma_semaphore, #tpu.memory_space<semaphore_mem>>
    %dma_start3A_849 = tpu.memref_squeeze %dma_start3A_848 : memref<1x!tpu.dma_semaphore, #tpu.memory_space<semaphore_mem>> -> memref<!tpu.dma_semaphore, #tpu.memory_space<semaphore_mem>>
    tpu.enqueue_indirect_dma source(%dma_start3A_847 : memref<2600000x64xf32, #tpu.memory_space<hbm>>) target(%dma_start3A_842 : memref<832x64xf32, #tpu.memory_space<vmem>>) offsets(%dma_start3A_844 : memref<832xi32, #tpu.memory_space<vmem>>) semaphore(%dma_start3A_849 : memref<!tpu.dma_semaphore, #tpu.memory_space<semaphore_mem>>)
    %add3A_850 = arith.constant 10816 : i32
    %add3A_851 = arith.addi %mul3A_2, %add3A_850 : i32
    %dma_start3A_852 = arith.constant 1 : i32
    %dma_start3A_853 = arith.constant 1 : i32
    %dma_start3A_854 = arith.constant 0 : i32
    %dma_start3A_855 = arith.constant 0 : i32
    %dma_start3A_856 = tpu.memref_slice %arg6[%dma_start3A_852, %dma_start3A_854, %dma_start3A_855] : memref<2x832x64xf32, #tpu.memory_space<vmem>> -> memref<1x832x64xf32, #tpu.memory_space<vmem>>
    %dma_start3A_857 = tpu.memref_squeeze %dma_start3A_856 : memref<1x832x64xf32, #tpu.memory_space<vmem>> -> memref<832x64xf32, #tpu.memory_space<vmem>>
    %dma_start3A_858 = arith.constant 0 : i32
    %dma_start3A_859 = tpu.memref_slice %arg4[%add3A_851, %dma_start3A_858] : memref<425984x64xf32, #tpu.memory_space<hbm>> -> memref<832x64xf32, #tpu.memory_space<hbm>>
    %dma_start3A_860 = tpu.memref_slice %arg8[%dma_start3A_853] : memref<2x!tpu.dma_semaphore, #tpu.memory_space<semaphore_mem>> -> memref<1x!tpu.dma_semaphore, #tpu.memory_space<semaphore_mem>>
    %dma_start3A_861 = tpu.memref_squeeze %dma_start3A_860 : memref<1x!tpu.dma_semaphore, #tpu.memory_space<semaphore_mem>> -> memref<!tpu.dma_semaphore, #tpu.memory_space<semaphore_mem>>
    %dma_start3A_862 = arith.constant 0 : i32
    %dma_start3A_863 = tpu.memref_slice %arg4[%add3A_851, %dma_start3A_862] : memref<425984x64xf32, #tpu.memory_space<hbm>> -> memref<832x64xf32, #tpu.memory_space<hbm>>
    %dma_start3A_864 = arith.constant 0 : i32
    %dma_start3A_865 = arith.constant 0 : i32
    %dma_start3A_866 = tpu.memref_slice %arg6[%dma_start3A_852, %dma_start3A_864, %dma_start3A_865] : memref<2x832x64xf32, #tpu.memory_space<vmem>> -> memref<1x832x64xf32, #tpu.memory_space<vmem>>
    %dma_start3A_867 = tpu.memref_squeeze %dma_start3A_866 : memref<1x832x64xf32, #tpu.memory_space<vmem>> -> memref<832x64xf32, #tpu.memory_space<vmem>>
    tpu.enqueue_dma source(%dma_start3A_867 : memref<832x64xf32, #tpu.memory_space<vmem>>) target(%dma_start3A_863 : memref<832x64xf32, #tpu.memory_space<hbm>>) target_semaphore(%dma_start3A_861 : memref<!tpu.dma_semaphore, #tpu.memory_space<semaphore_mem>>)
    %dma_wait3A_868 = arith.constant 0 : i32
    %dma_wait3A_869 = arith.constant 0 : i32
    %dma_wait3A_870 = arith.constant 0 : i32
    %dma_wait3A_871 = arith.constant 0 : i32
    %dma_wait3A_872 = tpu.memref_slice %arg6[%dma_wait3A_868, %dma_wait3A_870, %dma_wait3A_871] : memref<2x832x64xf32, #tpu.memory_space<vmem>> -> memref<1x832x64xf32, #tpu.memory_space<vmem>>
    %dma_wait3A_873 = tpu.memref_squeeze %dma_wait3A_872 : memref<1x832x64xf32, #tpu.memory_space<vmem>> -> memref<832x64xf32, #tpu.memory_space<vmem>>
    %dma_wait3A_874 = arith.constant 11648 : i32
    %dma_wait3A_875 = tpu.memref_slice %arg5[%dma_wait3A_874] : memref<13312xi32, #tpu.memory_space<vmem>> -> memref<832xi32, #tpu.memory_space<vmem>>
    %dma_wait3A_876 = arith.constant 0 : i32
    %dma_wait3A_877 = arith.constant 0 : i32
    %dma_wait3A_878 = tpu.memref_slice %arg3[%dma_wait3A_876, %dma_wait3A_877] : memref<2600000x64xf32, #tpu.memory_space<hbm>> -> memref<2600000x64xf32, #tpu.memory_space<hbm>>
    %dma_wait3A_879 = tpu.memref_slice %arg7[%dma_wait3A_869] : memref<2x!tpu.dma_semaphore, #tpu.memory_space<semaphore_mem>> -> memref<1x!tpu.dma_semaphore, #tpu.memory_space<semaphore_mem>>
    %dma_wait3A_880 = tpu.memref_squeeze %dma_wait3A_879 : memref<1x!tpu.dma_semaphore, #tpu.memory_space<semaphore_mem>> -> memref<!tpu.dma_semaphore, #tpu.memory_space<semaphore_mem>>
    tpu.wait_indirect_dma semaphore(%dma_wait3A_880 : memref<!tpu.dma_semaphore, #tpu.memory_space<semaphore_mem>>) src(%dma_wait3A_878 : memref<2600000x64xf32, #tpu.memory_space<hbm>>) dst(%dma_wait3A_873 : memref<832x64xf32, #tpu.memory_space<vmem>>)
    %add3A_881 = arith.constant 10816 : i32
    %add3A_882 = arith.addi %mul3A_2, %add3A_881 : i32
    %dma_wait3A_883 = arith.constant 1 : i32
    %dma_wait3A_884 = arith.constant 1 : i32
    %dma_wait3A_885 = arith.constant 0 : i32
    %dma_wait3A_886 = arith.constant 0 : i32
    %dma_wait3A_887 = tpu.memref_slice %arg6[%dma_wait3A_883, %dma_wait3A_885, %dma_wait3A_886] : memref<2x832x64xf32, #tpu.memory_space<vmem>> -> memref<1x832x64xf32, #tpu.memory_space<vmem>>
    %dma_wait3A_888 = tpu.memref_squeeze %dma_wait3A_887 : memref<1x832x64xf32, #tpu.memory_space<vmem>> -> memref<832x64xf32, #tpu.memory_space<vmem>>
    %dma_wait3A_889 = arith.constant 0 : i32
    %dma_wait3A_890 = tpu.memref_slice %arg4[%add3A_882, %dma_wait3A_889] : memref<425984x64xf32, #tpu.memory_space<hbm>> -> memref<832x64xf32, #tpu.memory_space<hbm>>
    %dma_wait3A_891 = tpu.memref_slice %arg8[%dma_wait3A_884] : memref<2x!tpu.dma_semaphore, #tpu.memory_space<semaphore_mem>> -> memref<1x!tpu.dma_semaphore, #tpu.memory_space<semaphore_mem>>
    %dma_wait3A_892 = tpu.memref_squeeze %dma_wait3A_891 : memref<1x!tpu.dma_semaphore, #tpu.memory_space<semaphore_mem>> -> memref<!tpu.dma_semaphore, #tpu.memory_space<semaphore_mem>>
    %dma_wait3A_893 = arith.constant 0 : i32
    %dma_wait3A_894 = tpu.memref_slice %arg4[%add3A_882, %dma_wait3A_893] : memref<425984x64xf32, #tpu.memory_space<hbm>> -> memref<832x64xf32, #tpu.memory_space<hbm>>
    %dma_wait3A_895 = arith.constant 0 : i32
    %dma_wait3A_896 = arith.constant 0 : i32
    %dma_wait3A_897 = tpu.memref_slice %arg6[%dma_wait3A_883, %dma_wait3A_895, %dma_wait3A_896] : memref<2x832x64xf32, #tpu.memory_space<vmem>> -> memref<1x832x64xf32, #tpu.memory_space<vmem>>
    %dma_wait3A_898 = tpu.memref_squeeze %dma_wait3A_897 : memref<1x832x64xf32, #tpu.memory_space<vmem>> -> memref<832x64xf32, #tpu.memory_space<vmem>>
    tpu.wait_dma2 semaphore(%dma_wait3A_892 : memref<!tpu.dma_semaphore, #tpu.memory_space<semaphore_mem>>) src(%dma_wait3A_898 : memref<832x64xf32, #tpu.memory_space<vmem>>) dst(%dma_wait3A_894 : memref<832x64xf32, #tpu.memory_space<hbm>>)
    %dma_start3A_899 = arith.constant 1 : i32
    %dma_start3A_900 = arith.constant 1 : i32
    %dma_start3A_901 = arith.constant 0 : i32
    %dma_start3A_902 = arith.constant 0 : i32
    %dma_start3A_903 = tpu.memref_slice %arg6[%dma_start3A_899, %dma_start3A_901, %dma_start3A_902] : memref<2x832x64xf32, #tpu.memory_space<vmem>> -> memref<1x832x64xf32, #tpu.memory_space<vmem>>
    %dma_start3A_904 = tpu.memref_squeeze %dma_start3A_903 : memref<1x832x64xf32, #tpu.memory_space<vmem>> -> memref<832x64xf32, #tpu.memory_space<vmem>>
    %dma_start3A_905 = arith.constant 12480 : i32
    %dma_start3A_906 = tpu.memref_slice %arg5[%dma_start3A_905] : memref<13312xi32, #tpu.memory_space<vmem>> -> memref<832xi32, #tpu.memory_space<vmem>>
    %dma_start3A_907 = arith.constant 0 : i32
    %dma_start3A_908 = arith.constant 0 : i32
    %dma_start3A_909 = tpu.memref_slice %arg3[%dma_start3A_907, %dma_start3A_908] : memref<2600000x64xf32, #tpu.memory_space<hbm>> -> memref<2600000x64xf32, #tpu.memory_space<hbm>>
    %dma_start3A_910 = tpu.memref_slice %arg7[%dma_start3A_900] : memref<2x!tpu.dma_semaphore, #tpu.memory_space<semaphore_mem>> -> memref<1x!tpu.dma_semaphore, #tpu.memory_space<semaphore_mem>>
    %dma_start3A_911 = tpu.memref_squeeze %dma_start3A_910 : memref<1x!tpu.dma_semaphore, #tpu.memory_space<semaphore_mem>> -> memref<!tpu.dma_semaphore, #tpu.memory_space<semaphore_mem>>
    tpu.enqueue_indirect_dma source(%dma_start3A_909 : memref<2600000x64xf32, #tpu.memory_space<hbm>>) target(%dma_start3A_904 : memref<832x64xf32, #tpu.memory_space<vmem>>) offsets(%dma_start3A_906 : memref<832xi32, #tpu.memory_space<vmem>>) semaphore(%dma_start3A_911 : memref<!tpu.dma_semaphore, #tpu.memory_space<semaphore_mem>>)
    %add3A_912 = arith.constant 11648 : i32
    %add3A_913 = arith.addi %mul3A_2, %add3A_912 : i32
    %dma_start3A_914 = arith.constant 0 : i32
    %dma_start3A_915 = arith.constant 0 : i32
    %dma_start3A_916 = arith.constant 0 : i32
    %dma_start3A_917 = arith.constant 0 : i32
    %dma_start3A_918 = tpu.memref_slice %arg6[%dma_start3A_914, %dma_start3A_916, %dma_start3A_917] : memref<2x832x64xf32, #tpu.memory_space<vmem>> -> memref<1x832x64xf32, #tpu.memory_space<vmem>>
    %dma_start3A_919 = tpu.memref_squeeze %dma_start3A_918 : memref<1x832x64xf32, #tpu.memory_space<vmem>> -> memref<832x64xf32, #tpu.memory_space<vmem>>
    %dma_start3A_920 = arith.constant 0 : i32
    %dma_start3A_921 = tpu.memref_slice %arg4[%add3A_913, %dma_start3A_920] : memref<425984x64xf32, #tpu.memory_space<hbm>> -> memref<832x64xf32, #tpu.memory_space<hbm>>
    %dma_start3A_922 = tpu.memref_slice %arg8[%dma_start3A_915] : memref<2x!tpu.dma_semaphore, #tpu.memory_space<semaphore_mem>> -> memref<1x!tpu.dma_semaphore, #tpu.memory_space<semaphore_mem>>
    %dma_start3A_923 = tpu.memref_squeeze %dma_start3A_922 : memref<1x!tpu.dma_semaphore, #tpu.memory_space<semaphore_mem>> -> memref<!tpu.dma_semaphore, #tpu.memory_space<semaphore_mem>>
    %dma_start3A_924 = arith.constant 0 : i32
    %dma_start3A_925 = tpu.memref_slice %arg4[%add3A_913, %dma_start3A_924] : memref<425984x64xf32, #tpu.memory_space<hbm>> -> memref<832x64xf32, #tpu.memory_space<hbm>>
    %dma_start3A_926 = arith.constant 0 : i32
    %dma_start3A_927 = arith.constant 0 : i32
    %dma_start3A_928 = tpu.memref_slice %arg6[%dma_start3A_914, %dma_start3A_926, %dma_start3A_927] : memref<2x832x64xf32, #tpu.memory_space<vmem>> -> memref<1x832x64xf32, #tpu.memory_space<vmem>>
    %dma_start3A_929 = tpu.memref_squeeze %dma_start3A_928 : memref<1x832x64xf32, #tpu.memory_space<vmem>> -> memref<832x64xf32, #tpu.memory_space<vmem>>
    tpu.enqueue_dma source(%dma_start3A_929 : memref<832x64xf32, #tpu.memory_space<vmem>>) target(%dma_start3A_925 : memref<832x64xf32, #tpu.memory_space<hbm>>) target_semaphore(%dma_start3A_923 : memref<!tpu.dma_semaphore, #tpu.memory_space<semaphore_mem>>)
    %dma_wait3A_930 = arith.constant 1 : i32
    %dma_wait3A_931 = arith.constant 1 : i32
    %dma_wait3A_932 = arith.constant 0 : i32
    %dma_wait3A_933 = arith.constant 0 : i32
    %dma_wait3A_934 = tpu.memref_slice %arg6[%dma_wait3A_930, %dma_wait3A_932, %dma_wait3A_933] : memref<2x832x64xf32, #tpu.memory_space<vmem>> -> memref<1x832x64xf32, #tpu.memory_space<vmem>>
    %dma_wait3A_935 = tpu.memref_squeeze %dma_wait3A_934 : memref<1x832x64xf32, #tpu.memory_space<vmem>> -> memref<832x64xf32, #tpu.memory_space<vmem>>
    %dma_wait3A_936 = arith.constant 12480 : i32
    %dma_wait3A_937 = tpu.memref_slice %arg5[%dma_wait3A_936] : memref<13312xi32, #tpu.memory_space<vmem>> -> memref<832xi32, #tpu.memory_space<vmem>>
    %dma_wait3A_938 = arith.constant 0 : i32
    %dma_wait3A_939 = arith.constant 0 : i32
    %dma_wait3A_940 = tpu.memref_slice %arg3[%dma_wait3A_938, %dma_wait3A_939] : memref<2600000x64xf32, #tpu.memory_space<hbm>> -> memref<2600000x64xf32, #tpu.memory_space<hbm>>
    %dma_wait3A_941 = tpu.memref_slice %arg7[%dma_wait3A_931] : memref<2x!tpu.dma_semaphore, #tpu.memory_space<semaphore_mem>> -> memref<1x!tpu.dma_semaphore, #tpu.memory_space<semaphore_mem>>
    %dma_wait3A_942 = tpu.memref_squeeze %dma_wait3A_941 : memref<1x!tpu.dma_semaphore, #tpu.memory_space<semaphore_mem>> -> memref<!tpu.dma_semaphore, #tpu.memory_space<semaphore_mem>>
    tpu.wait_indirect_dma semaphore(%dma_wait3A_942 : memref<!tpu.dma_semaphore, #tpu.memory_space<semaphore_mem>>) src(%dma_wait3A_940 : memref<2600000x64xf32, #tpu.memory_space<hbm>>) dst(%dma_wait3A_935 : memref<832x64xf32, #tpu.memory_space<vmem>>)
    %add3A_943 = arith.constant 12480 : i32
    %add3A_944 = arith.addi %mul3A_2, %add3A_943 : i32
    %dma_start3A_945 = arith.constant 1 : i32
    %dma_start3A_946 = arith.constant 1 : i32
    %dma_start3A_947 = arith.constant 0 : i32
    %dma_start3A_948 = arith.constant 0 : i32
    %dma_start3A_949 = tpu.memref_slice %arg6[%dma_start3A_945, %dma_start3A_947, %dma_start3A_948] : memref<2x832x64xf32, #tpu.memory_space<vmem>> -> memref<1x832x64xf32, #tpu.memory_space<vmem>>
    %dma_start3A_950 = tpu.memref_squeeze %dma_start3A_949 : memref<1x832x64xf32, #tpu.memory_space<vmem>> -> memref<832x64xf32, #tpu.memory_space<vmem>>
    %dma_start3A_951 = arith.constant 0 : i32
    %dma_start3A_952 = tpu.memref_slice %arg4[%add3A_944, %dma_start3A_951] : memref<425984x64xf32, #tpu.memory_space<hbm>> -> memref<832x64xf32, #tpu.memory_space<hbm>>
    %dma_start3A_953 = tpu.memref_slice %arg8[%dma_start3A_946] : memref<2x!tpu.dma_semaphore, #tpu.memory_space<semaphore_mem>> -> memref<1x!tpu.dma_semaphore, #tpu.memory_space<semaphore_mem>>
    %dma_start3A_954 = tpu.memref_squeeze %dma_start3A_953 : memref<1x!tpu.dma_semaphore, #tpu.memory_space<semaphore_mem>> -> memref<!tpu.dma_semaphore, #tpu.memory_space<semaphore_mem>>
    %dma_start3A_955 = arith.constant 0 : i32
    %dma_start3A_956 = tpu.memref_slice %arg4[%add3A_944, %dma_start3A_955] : memref<425984x64xf32, #tpu.memory_space<hbm>> -> memref<832x64xf32, #tpu.memory_space<hbm>>
    %dma_start3A_957 = arith.constant 0 : i32
    %dma_start3A_958 = arith.constant 0 : i32
    %dma_start3A_959 = tpu.memref_slice %arg6[%dma_start3A_945, %dma_start3A_957, %dma_start3A_958] : memref<2x832x64xf32, #tpu.memory_space<vmem>> -> memref<1x832x64xf32, #tpu.memory_space<vmem>>
    %dma_start3A_960 = tpu.memref_squeeze %dma_start3A_959 : memref<1x832x64xf32, #tpu.memory_space<vmem>> -> memref<832x64xf32, #tpu.memory_space<vmem>>
    tpu.enqueue_dma source(%dma_start3A_960 : memref<832x64xf32, #tpu.memory_space<vmem>>) target(%dma_start3A_956 : memref<832x64xf32, #tpu.memory_space<hbm>>) target_semaphore(%dma_start3A_954 : memref<!tpu.dma_semaphore, #tpu.memory_space<semaphore_mem>>)
    %add3A_961 = arith.constant 11648 : i32
    %add3A_962 = arith.addi %mul3A_2, %add3A_961 : i32
    %dma_wait3A_963 = arith.constant 0 : i32
    %dma_wait3A_964 = arith.constant 0 : i32
    %dma_wait3A_965 = arith.constant 0 : i32
    %dma_wait3A_966 = arith.constant 0 : i32
    %dma_wait3A_967 = tpu.memref_slice %arg6[%dma_wait3A_963, %dma_wait3A_965, %dma_wait3A_966] : memref<2x832x64xf32, #tpu.memory_space<vmem>> -> memref<1x832x64xf32, #tpu.memory_space<vmem>>
    %dma_wait3A_968 = tpu.memref_squeeze %dma_wait3A_967 : memref<1x832x64xf32, #tpu.memory_space<vmem>> -> memref<832x64xf32, #tpu.memory_space<vmem>>
    %dma_wait3A_969 = arith.constant 0 : i32
    %dma_wait3A_970 = tpu.memref_slice %arg4[%add3A_962, %dma_wait3A_969] : memref<425984x64xf32, #tpu.memory_space<hbm>> -> memref<832x64xf32, #tpu.memory_space<hbm>>
    %dma_wait3A_971 = tpu.memref_slice %arg8[%dma_wait3A_964] : memref<2x!tpu.dma_semaphore, #tpu.memory_space<semaphore_mem>> -> memref<1x!tpu.dma_semaphore, #tpu.memory_space<semaphore_mem>>
    %dma_wait3A_972 = tpu.memref_squeeze %dma_wait3A_971 : memref<1x!tpu.dma_semaphore, #tpu.memory_space<semaphore_mem>> -> memref<!tpu.dma_semaphore, #tpu.memory_space<semaphore_mem>>
    %dma_wait3A_973 = arith.constant 0 : i32
    %dma_wait3A_974 = tpu.memref_slice %arg4[%add3A_962, %dma_wait3A_973] : memref<425984x64xf32, #tpu.memory_space<hbm>> -> memref<832x64xf32, #tpu.memory_space<hbm>>
    %dma_wait3A_975 = arith.constant 0 : i32
    %dma_wait3A_976 = arith.constant 0 : i32
    %dma_wait3A_977 = tpu.memref_slice %arg6[%dma_wait3A_963, %dma_wait3A_975, %dma_wait3A_976] : memref<2x832x64xf32, #tpu.memory_space<vmem>> -> memref<1x832x64xf32, #tpu.memory_space<vmem>>
    %dma_wait3A_978 = tpu.memref_squeeze %dma_wait3A_977 : memref<1x832x64xf32, #tpu.memory_space<vmem>> -> memref<832x64xf32, #tpu.memory_space<vmem>>
    tpu.wait_dma2 semaphore(%dma_wait3A_972 : memref<!tpu.dma_semaphore, #tpu.memory_space<semaphore_mem>>) src(%dma_wait3A_978 : memref<832x64xf32, #tpu.memory_space<vmem>>) dst(%dma_wait3A_974 : memref<832x64xf32, #tpu.memory_space<hbm>>)
    %add3A_979 = arith.constant 12480 : i32
    %add3A_980 = arith.addi %mul3A_2, %add3A_979 : i32
    %dma_wait3A_981 = arith.constant 1 : i32
    %dma_wait3A_982 = arith.constant 1 : i32
    %dma_wait3A_983 = arith.constant 0 : i32
    %dma_wait3A_984 = arith.constant 0 : i32
    %dma_wait3A_985 = tpu.memref_slice %arg6[%dma_wait3A_981, %dma_wait3A_983, %dma_wait3A_984] : memref<2x832x64xf32, #tpu.memory_space<vmem>> -> memref<1x832x64xf32, #tpu.memory_space<vmem>>
    %dma_wait3A_986 = tpu.memref_squeeze %dma_wait3A_985 : memref<1x832x64xf32, #tpu.memory_space<vmem>> -> memref<832x64xf32, #tpu.memory_space<vmem>>
    %dma_wait3A_987 = arith.constant 0 : i32
    %dma_wait3A_988 = tpu.memref_slice %arg4[%add3A_980, %dma_wait3A_987] : memref<425984x64xf32, #tpu.memory_space<hbm>> -> memref<832x64xf32, #tpu.memory_space<hbm>>
    %dma_wait3A_989 = tpu.memref_slice %arg8[%dma_wait3A_982] : memref<2x!tpu.dma_semaphore, #tpu.memory_space<semaphore_mem>> -> memref<1x!tpu.dma_semaphore, #tpu.memory_space<semaphore_mem>>
    %dma_wait3A_990 = tpu.memref_squeeze %dma_wait3A_989 : memref<1x!tpu.dma_semaphore, #tpu.memory_space<semaphore_mem>> -> memref<!tpu.dma_semaphore, #tpu.memory_space<semaphore_mem>>
    %dma_wait3A_991 = arith.constant 0 : i32
    %dma_wait3A_992 = tpu.memref_slice %arg4[%add3A_980, %dma_wait3A_991] : memref<425984x64xf32, #tpu.memory_space<hbm>> -> memref<832x64xf32, #tpu.memory_space<hbm>>
    %dma_wait3A_993 = arith.constant 0 : i32
    %dma_wait3A_994 = arith.constant 0 : i32
    %dma_wait3A_995 = tpu.memref_slice %arg6[%dma_wait3A_981, %dma_wait3A_993, %dma_wait3A_994] : memref<2x832x64xf32, #tpu.memory_space<vmem>> -> memref<1x832x64xf32, #tpu.memory_space<vmem>>
    %dma_wait3A_996 = tpu.memref_squeeze %dma_wait3A_995 : memref<1x832x64xf32, #tpu.memory_space<vmem>> -> memref<832x64xf32, #tpu.memory_space<vmem>>
    tpu.wait_dma2 semaphore(%dma_wait3A_990 : memref<!tpu.dma_semaphore, #tpu.memory_space<semaphore_mem>>) src(%dma_wait3A_996 : memref<832x64xf32, #tpu.memory_space<vmem>>) dst(%dma_wait3A_992 : memref<832x64xf32, #tpu.memory_space<hbm>>)
    return
  }
}

</mosaic_0001>

<sc_bundles>
// kernel: kernel.3.cloned.1.call-start
scs
__scs_entry_jumppad:
0x0: {  	(pc) =	sbr.rel $0x88, $3  }
0x1: {  	(tag) =	ssettag $0x0;
	lr =	simm.s32 $0x1  }
0x2: {  	[smem:$0x3F9F] =	sst lr;
	_ =	strace $0xD0000000  }
0x3: {  	_ = 	snop  }
0x4: {  	_ = 	snop  }
0x5: {  	_ = 	snop  }
0x6: {  	_ = 	snop  }
0x7: {  	_ = 	snop  }
__scs_overlays_trampoline_lowered:
0x8: {  	[smem:$0x3FAE] =	sst s0  }
0x9: {  	[smem:$0x3FAF] =	sst s1  }
0xa: {  	[smem:$0x3FB0] =	sst s2  }
0xb: {  	[smem:$0x3FB1] =	sst s3  }
0xc: {  	[smem:$0x3FB2] =	sst s4  }
0xd: {  	[smem:$0x3FB3] =	sst s5  }
0xe: {  	[smem:$0x3FB4] =	sst s6  }
0xf: {  	[smem:$0x3FB5] =	sst s7  }
0x10: {  	[smem:$0x3FB6] =	sst s8  }
0x11: {  	[smem:$0x3FB7] =	sst s9;
	s0 =	simm.s32 @!p0 $0x0  }
0x12: {  	s1 =	sld [smem:$0x3F9D];
	s0 =	simm.s32 @p0 $0x1  }
0x13: {  	[smem:$0x3FB8] =	sst s0;
	s0 =	simm.s32 @!p1 $0x0  }
0x14: {  	s2 =	sld [smem:$0x3F9C];
	s0 =	simm.s32 @p1 $0x1  }
0x15: {  	[smem:$0x3FB9] =	sst s0;
	s0 =	simm.s32 @!p2 $0x0  }
0x16: {  	s3 =	sld [smem:$0x3FDB];
	s0 =	simm.s32 @p2 $0x1  }
0x17: {  	s4 =	simm.s32 $0x1BF5;
	[smem:$0x3FBB] =	sst s0  }
0x18: {  	s0 =	sld [smem:$0x3F9E];
	_ =	swait.ge [sflag:s4], $0x0  }
0x19: {  	s7 =	sld [smem:$0x3F9F]  }
0x1a: {  	s8 =	sadd.s32 $0xFFFFE003, lr  }
0x1b: {  	s9 =	sadd.s32 $0xFFFFFEF7, lr;
	s5 =	simm.s32 $0xFFFFFFFF;
	p2 =	slt.u32 s8, $0xFFFFF086  }
0x1c: {  	p1 =	slt.u32 s9, $0xF7A;
	s5 =	simm.s32 @!p2 $0x0  }
0x1d: {  	s5 =	simm.s32 @p1 $0x1;
	p0 =	seq.s32 s7, s2  }
0x1e: {  	s7 =	smul.u32 @!p0 $0xF7A, s2;
	p2 =	seq.s32 @!p0 s5, $0x0  }
0x1f: {  	s9 =	smul.u32 $0xF7A, s1;
	s8 =	simm.s32 @!p0 $0x1BF5;
	p2 =	por !p2, p0  }
0x20: {  	[sflag:s8] =	ssyncset.s32 @!p0 $0xFFFFF086;
	s6 =	sadd.s32 @!p0 s3, s7;
	s7 =	simm.s32 @!p0 $0x108  }
0x21: {  	s3 =	sadd.s32 s3, s9;
	s6 =	sadd.s32 @!p0 $0x88, s6;
	s7 =	simm.s32 @p2 $0x1082  }
0x22: {  	[simem:s7], [sflag:s8] =	dma.local @!p0 [hbm:s6], $0xF7A  }
0x23: {  	s9 =	sor.u32 $0xD0000000, s2;
	s6 =	simm.s32 $0x108;
	_ =	swait.ge @!p0 [sflag:s8], $0x0  }
0x24: {  	s3 =	sadd.s32 $0x88, s3;
	s6 =	simm.s32 @!p1 $0x1082;
	[sflag:s4] =	ssyncset.s32 $0xFFFFF086  }
0x25: {  	[simem:s6], [sflag:s4] =	dma.local [hbm:s3], $0xF7A  }
0x26: {  	[smem:$0x3F9F] =	sst s1;
	(tag) =	ssettag s2;
	_ =	strace s9  }
0x27: {  	s1 =	sld [smem:$0x3FAF]  }
0x28: {  	s2 =	sld [smem:$0x3FB0]  }
0x29: {  	s4 =	sld [smem:$0x3FB2]  }
0x2a: {  	p0 =	seq.s32 s5, $0x0;
	s5 =	sld [smem:$0x3FB3]  }
0x2b: {  	s6 =	sld [smem:$0x3FB4]  }
0x2c: {  	s7 =	sld [smem:$0x3FB5]  }
0x2d: {  	s3 =	simm.s32 $0x108;
	s8 =	sld [smem:$0x3FB6]  }
0x2e: {  	s3 =	simm.s32 @!p0 $0x1082;
	s9 =	sld [smem:$0x3FB7]  }
0x2f: {  	lr =	sadd.s32 s0, s3;
	s0 =	sld [smem:$0x3FAE]  }
0x30: {  	s3 =	sld [smem:$0x3FB1]  }
0x31: {  	[smem:$0x3FBA] =	sst s10  }
0x32: {  	s10 =	sld [smem:$0x3FB8];
	_ =	sdelay $0x3  }
0x33: {  	p0 =	seq.s32 s10, $0x1;
	s10 =	sld [smem:$0x3FBA];
	_ =	sdelay $0x3  }
0x34: {  	[smem:$0x3FBA] =	sst s10  }
0x35: {  	s10 =	sld [smem:$0x3FB9];
	_ =	sdelay $0x3  }
0x36: {  	p1 =	seq.s32 s10, $0x1;
	s10 =	sld [smem:$0x3FBA];
	_ =	sdelay $0x3  }
0x37: {  	[smem:$0x3FBA] =	sst s10  }
0x38: {  	s10 =	sld [smem:$0x3FBB]  }
0x39: {  	_ = 	snop;
	(pc) =	sbr.ind lr, $3  }
0x3a: {  	_ = 	snop  }
0x3b: {  	_ = 	snop  }
0x3c: {  	p2 =	seq.s32 s10, $0x1;
	s10 =	sld [smem:$0x3FBA]  }
0x3d: {  	_ =	shalt  }
0x3e: {  	_ =	shalt  }
0x3f: {  	_ =	shalt  }
0x40: {  	_ =	shalt  }
0x41: {  	_ =	shalt  }
0x42: {  	_ =	shalt  }
0x43: {  	_ =	shalt  }
0x44: {  	_ =	shalt  }
0x45: {  	_ =	shalt  }
0x46: {  	_ =	shalt  }
0x47: {  	_ =	shalt  }
0x48: {  	_ =	shalt  }
0x49: {  	_ =	shalt  }
0x4a: {  	_ =	shalt  }
0x4b: {  	_ =	shalt  }
0x4c: {  	_ =	shalt  }
0x4d: {  	_ =	shalt  }
0x4e: {  	_ =	shalt  }
0x4f: {  	_ =	shalt  }
0x50: {  	_ =	shalt  }
0x51: {  	_ =	shalt  }
0x52: {  	_ =	shalt  }
0x53: {  	_ =	shalt  }
0x54: {  	_ =	shalt  }
0x55: {  	_ =	shalt  }
0x56: {  	_ =	shalt  }
0x57: {  	_ =	shalt  }
0x58: {  	_ =	shalt  }
0x59: {  	_ =	shalt  }
0x5a: {  	_ =	shalt  }
0x5b: {  	_ =	shalt  }
0x5c: {  	_ =	shalt  }
0x5d: {  	_ =	shalt  }
0x5e: {  	_ =	shalt  }
0x5f: {  	_ =	shalt  }
0x60: {  	_ =	shalt  }
0x61: {  	_ =	shalt  }
0x62: {  	_ =	shalt  }
0x63: {  	_ =	shalt  }
0x64: {  	_ =	shalt  }
0x65: {  	_ =	shalt  }
0x66: {  	_ =	shalt  }
0x67: {  	_ =	shalt  }
0x68: {  	_ =	shalt  }
0x69: {  	_ =	shalt  }
0x6a: {  	_ =	shalt  }
0x6b: {  	_ =	shalt  }
0x6c: {  	_ =	shalt  }
0x6d: {  	_ =	shalt  }
0x6e: {  	_ =	shalt  }
0x6f: {  	_ =	shalt  }
0x70: {  	_ =	shalt  }
0x71: {  	_ =	shalt  }
0x72: {  	_ =	shalt  }
0x73: {  	_ =	shalt  }
0x74: {  	_ =	shalt  }
0x75: {  	_ =	shalt  }
0x76: {  	_ =	shalt  }
0x77: {  	_ =	shalt  }
0x78: {  	_ =	shalt  }
0x79: {  	_ =	shalt  }
0x7a: {  	_ =	shalt  }
0x7b: {  	_ =	shalt  }
0x7c: {  	_ =	shalt  }
0x7d: {  	_ =	shalt  }
0x7e: {  	_ =	shalt  }
0x7f: {  	_ =	shalt  }
0x80: {  	_ =	shalt  }
0x81: {  	_ =	shalt  }
0x82: {  	_ =	shalt  }
0x83: {  	_ =	shalt  }
0x84: {  	_ =	shalt  }
0x85: {  	_ =	shalt  }
0x86: {  	_ =	shalt  }
0x87: {  	_ =	shalt  }
.Lfunc_end0:
.L_simem_size_0:
called_computation.1_lowered:
.L_overlay_start_0:
0x88: {  	s2 =	sld [smem:$0x3FD9]  }
0x89: {  	s3 =	sld [smem:$0x3FFE];
	_ =	sdelay $0x1  }
0x8a: {  	s1 =	srdreg.scid  }
0x8b: {  	s0 =	sand.u32 $0x1, s1  }
0x8c: {  	s17 =	sshll.u32 s0, $0xA;
	s2 =	sadd.s32 s3, s2  }
0x8d: {  	s2 =	sadd.s32 s2, s17  }
0x8e: {  	[smem:$0x3FC6] =	sst s2  }
0x8f: {  	_ = 	snop  }
0x90: {  	s2 =	sld [smem:$0x3FD0];
	(tm) =	ssettm $0x1  }
0x91: {  	s18 =	sld [smem:$0x3FFB];
	_ =	sdelay $0x3  }
0x92: {  	_ =	strace s18  }
0x93: {  	s3 =	sld [smem:$0x3FFC];
	_ =	sdelay $0x3  }
0x94: {  	_ =	strace s3  }
0x95: {  	s3 =	sld [smem:$0x3FFD];
	_ =	sdelay $0x3  }
0x96: {  	_ =	strace s3  }
0x97: {  	_ =	strace $0x8FFFFFFF  }
0x98: {  	s19 =	sld [smem:$0x3FDB];
	_ =	sdelay $0x1  }
0x99: {  	s4 =	simm.s32 $_scs_section_size  }
0x9a: {  	s5 =	simm.s32 $_size__tile_overlayer_lowered;
	s6 =	simm.s32 $_tile_overlayer_lowered  }
0x9b: {  	s22 =	simm.s32 $0x1BFF;
	s21 =	sshll.u32 s6, $0x1;
	s3 =	sadd.s32 s4, s19  }
0x9c: {  	s7 =	simm.s32 $0x0;
	s20 =	sshll.u32 s5, $0x1;
	s5 =	sadd.s32 s21, s3  }
0x9d: {  	[timem:s7], [sflag:s22] =	dma.local [hbm:s5], s20  }
0x9e: {  	_ =	swait.ge [sflag:s22], s20  }
0x9f: {  	s4 =	ssub.s32 $0x0, s20;
	[sflag:s22] =	ssyncset.done $0x0  }
0xa0: {  	[sflag:s22] =	ssyncadd.s32 s4;
	_ =	sdelay $0x1  }
0xa1: {  	s23 =	simm.s32 $0x1B8B  }
0xa2: {  	_ =	swait.ge [sflag:s23], $0x1  }
0xa3: {  	[sflag:s23] =	ssyncset.done $0x0  }
0xa4: {  	s25 =	simm.s32 $0x1B8E;
	s24 =	sld [smem:$0x3FFE];
	[sflag:s23] =	ssyncadd.s32 $0xFFFFFFFF  }
0xa5: {  	s26 =	simm.s32 $execute0_lowered;
	[smem:$0x3FD2] =	sst s25  }
0xa6: {  	s5 =	sshll.u32 s26, $0x1;
	_ =	strace $0x80000046;
	[dreg:$0x1] =	wrdreg $0xFFFFFFFF  }
0xa7: {  	s28 =	simm.s32 $_size_execute0_lowered;
	s3 =	sadd.s32 s3, s5;
	[dreg:$0x0] =	wrdreg $0x0  }
0xa8: {  	s5 =	sshll.u32 s28, $0x1;
	[dreg:$0x2] =	wrdreg s3  }
0xa9: {  	[dreg:$0x3] =	wrdreg s5  }
0xaa: {  	[dreg:$0x4] =	wrdreg $0xC0  }
0xab: {  	_ =	task [dreg:s7], $0x5FFFF  }
0xac: {  	[dreg:$0x1] =	wrdreg $0xFFFFFFFF  }
0xad: {  	[dreg:$0x0] =	wrdreg $0x60  }
0xae: {  	[dreg:$0x2] =	wrdreg s24  }
0xaf: {  	[dreg:$0x3] =	wrdreg s2  }
0xb0: {  	[dreg:$0x4] =	wrdreg $0x9  }
0xb1: {  	_ =	task.clear_ibuf [dreg:s7], $0x5FFFF;
	_ =	strace $0x90000046  }
0xb2: {  	s29 =	simm.s32 $0x9;
	_ =	strace $0x80000048  }
0xb3: {  	_ =	swait.ge [sflag:s29], $0x1  }
0xb4: {  	[sflag:s29] =	ssyncadd.s32 $0xFFFFFFFF  }
0xb5: {  	_ =	strace $0x90000048  }
0xb6: {  	_ =	sfence  }
0xb7: {  	s30 =	sld [smem:$0x0];
	_ =	sdelay $0x2  }
0xb8: {  	s31 =	sshll.u32 s1, $0xD;
	s1 =	sshrl.u32 s1, $0x2  }
0xb9: {  	s3 =	sand.u32 $0x4000, s31;
	s1 =	sadd.s32 s1, s30  }
0xba: {  	s0 =	sor.u32 s3, s0;
	s1 =	sshll.u32 s1, $0x11  }
0xbb: {  	s0 =	sor.u32 s1, s0  }
0xbc: {  	s0 =	sadd.s32 $0x8F2B, s0  }
0xbd: {  	[sflag:s0] =	ssyncadd.remote.s32 $0x1  }
0xbe: {  	_ =	sfence.sel $0xFFFF  }
0xbf: {  	[dreg:$0x0] =	wrdreg $0xFFFFFFFF;
	(pc) =	sbr.abs _section_cstart, $3  }
0xc0: {  	[dreg:$0x1] =	wrdreg $0xFFFFFFFF  }
0xc1: {  	_ =	task.clear_ibuf [dreg:s7], $0x2FFFF;
	_ =	strace $0x9FFFFFFF  }
0xc2: {  	(tm) =	ssettm $0x7FFFFFFF  }
0xc3: {  	_ =	shalt  }
tec
execute0_lowered:
.L_overlay_start_1:
0x0: {  	(tag) =	ssettag $0x1  }
0x1: {  	s0 =	srdreg.scid;
	s1 =	rddreg [dreg:$0x0]  }
0x2: {  	s4 =	rddreg [dreg:$0x1];
	s19 =	stileid.u32;
	s2 =	simm.s32 $0x0  }
0x3: {  	s28 =	simm.s32 $0x10400;
	s29 =	simm.s32 $0x2;
	s0 =	sand.u32 $0x1, s0  }
0x4: {  	s30 =	simm.s32 $0x3;
	s26 =	smul.u32 $0x3400, s19;
	s3 =	sshll.u32 s0, $0x4  }
0x5: {  	s6 =	ssub.s32 $0x2, s0;
	s0 =	smul.u32 $0x34000, s0;
	s3 =	sor.u32 s19, s3  }
0x6: {  	s31 =	simm.s32 $0x0;
	[smem:$0x7FF] =	sst s2;
	s5 =	smul.u32 $0x3400, s3  }
0x7: {  	_ =	strace $0x80000047;
	s8 =	sshrl.u32 s6, $0x1;
	s7 =	smul.u32 $0xD0000, s3  }
0x8: {  	s9 =	smul.u32 $0x1A000, s3;
	s3 =	sadd.s32 $0x27ACE00, s1;
	s23 =	ssub.s32 s6, s8  }
0x9: {  	s6 =	sadd.s32 s26, s0;
	s26 =	simm.s32 $0x1;
	s5 =	sshrl.u32 s5, $0x3  }
0xa: {  	s0 =	simm.s32 $0x4;
	s21 =	smax.u32 s23, $0x1;
	s5 =	sadd.s32 s5, s1  }
0xb: {  	s23 =	simm.s32 $0x5;
	s24 =	sshrl.u32 s7, $0x3;
	s5 =	sadd.s32 $0xA00, s5  }
0xc: {  	[dreg:$0x3] =	wrdreg s5;
	s5 =	sadd.s32 s4, s9;
	s4 =	sadd.s32 s4, s24  }
0xd: {  	s24 =	simm.s32 $0x340;
	s25 =	sadd.s32 $0x1A00, s5;
	s7 =	sadd.s32 $0x3400, s4  }
0xe: {  	s8 =	sadd.s32 $0x4E00, s4;
	s9 =	sadd.s32 $0x6800, s4;
	s10 =	sadd.s32 $0x8200, s4  }
0xf: {  	s11 =	sadd.s32 $0x9C00, s4;
	s12 =	sadd.s32 $0xB600, s4;
	s13 =	sadd.s32 $0xD000, s4  }
0x10: {  	s14 =	sadd.s32 $0xEA00, s4;
	s15 =	sadd.s32 $0x10400, s4;
	s16 =	sadd.s32 $0x11E00, s4  }
0x11: {  	s17 =	sadd.s32 $0x13800, s4;
	s18 =	sadd.s32 $0x15200, s4;
	s19 =	sadd.s32 $0x16C00, s4  }
0x12: {  	s20 =	sadd.s32 $0x18600, s4;
	[dreg:$0x4] =	wrdreg s25;
	s25 =	simm.s32 $0x3400  }
.LBB2_1:
0x13: {  	s1 =	rddreg [dreg:$0x3]  }
0x14: {  	[tilespmem:s2], [sflag:$0x5] =	stream.linear.gather [hbm4b:s1+s2], $0x3400, $0x38;
	[tilespmem:$0x1D400] =	vst v63  }
0x15: {  	_ =	swait.ge [sflag:s23], $0x3400  }
0x16: {  	s4 =	simm.s32 $0x40;
	[sflag:s23] =	ssyncset.done $0x0  }
0x17: {  	v0 =	vmov s6;
	s22 =	smov.u32 s6;
	s1 =	simm.s32 $0x0;
	[sflag:s23] =	ssyncadd.s32 $0xFFFFCC00  }
.LBB2_2:
0x18: {  	p0 =	sne.s32 s4, $0xCFC0;
	v1 =	vld [tilespmem:s1+$0x0];
	v0 =	vshra.s32 v0, $0xE  }
0x19: {  	v0 =	vmul.u32 $0x186A0, v0  }
.Ltmp0:
0x1a: {  	(pc) =	sbr.rel @p0 .LBB2_2-.Ltmp0, $3  }
0x1b: {  	v0 =	vbroadcast v0, $0x0;
	_ =	sdelay $0x1  }
0x1c: {  	s22 =	sadd.s32 $0x10, s22;
	v1 =	vadd.s32 v0, v1  }
0x1d: {  	v0 =	vmov s22;
	[tilespmem:s1+$0x0] =	vst v1;
	s1 =	sshra.s32 s4, $0x2;
	s4 =	sadd.s32 $0x40, s4  }
0x1e: {  	v1 =	vld [tilespmem:s1+$0x0];
	v0 =	vshra.s32 v0, $0xE  }
0x1f: {  	v0 =	vmul.u32 $0x186A0, v0;
	_ =	sdelay $0x1  }
0x20: {  	v0 =	vbroadcast v0, $0x0;
	_ =	sdelay $0x1  }
0x21: {  	v0 =	vadd.s32 v0, v1  }
0x22: {  	[tilespmem:s1+$0x0] =	vst v0  }
0x23: {  	[tilespmem:s25], [sflag:$0x1] =	stream.indirect.gather [hbm4b:s3+s24], $0x40, s2, s24, $0xb8;
	[tilespmem:$0x1D400] =	vst v63  }
0x24: {  	_ =	swait.ge [sflag:s26], $0xD000  }
0x25: {  	[sflag:s26] =	ssyncset.done $0x0  }
0x26: {  	[sflag:s26] =	ssyncadd.s32 $0xFFFF3000  }
0x27: {  	[tilespmem:s28], [sflag:$0x2] =	stream.indirect.gather [hbm4b:s3+s24], $0x40, s24, s24, $0xb8;
	[tilespmem:$0x1D400] =	vst v63  }
0x28: {  	_ = 	snop  }
0x29: {  	[hbm4b:s5+s2] =	stream.linear.scatter [tilespmem:s25], [sflag:$0x3], $0xD000, $0x38;
	[tilespmem:$0x1D400] =	vst v63  }
0x2a: {  	_ =	swait.ge [sflag:s29], $0xD000  }
0x2b: {  	[sflag:s29] =	ssyncset.done $0x0  }
0x2c: {  	[sflag:s29] =	ssyncadd.s32 $0xFFFF3000  }
0x2d: {  	_ =	swait.ge [sflag:s30], $0xD000  }
0x2e: {  	[sflag:s30] =	ssyncset.done $0x0  }
0x2f: {  	s22 =	simm.s32 $0x680;
	[sflag:s30] =	ssyncadd.s32 $0xFFFF3000  }
0x30: {  	[tilespmem:s25], [sflag:$0x1] =	stream.indirect.gather [hbm4b:s3+s24], $0x40, s22, s24, $0xb8;
	[tilespmem:$0x1D400] =	vst v63  }
0x31: {  	s4 =	rddreg [dreg:$0x4]  }
0x32: {  	[hbm4b:s4+s2] =	stream.linear.scatter [tilespmem:s28], [sflag:$0x4], $0xD000, $0x38;
	[tilespmem:$0x1D400] =	vst v63  }
0x33: {  	_ =	swait.ge [sflag:s26], $0xD000  }
0x34: {  	[sflag:s26] =	ssyncset.done $0x0  }
0x35: {  	[sflag:s26] =	ssyncadd.s32 $0xFFFF3000  }
0x36: {  	_ =	swait.ge [sflag:s0], $0xD000  }
0x37: {  	[sflag:s0] =	ssyncset.done $0x0  }
0x38: {  	s22 =	simm.s32 $0x9C0;
	[sflag:s0] =	ssyncadd.s32 $0xFFFF3000  }
0x39: {  	[tilespmem:s28], [sflag:$0x2] =	stream.indirect.gather [hbm4b:s3+s24], $0x40, s22, s24, $0xb8;
	[tilespmem:$0x1D400] =	vst v63  }
0x3a: {  	_ = 	snop  }
0x3b: {  	[hbm4b:s7+s2] =	stream.linear.scatter [tilespmem:s25], [sflag:$0x3], $0xD000, $0x38;
	[tilespmem:$0x1D400] =	vst v63  }
0x3c: {  	_ =	swait.ge [sflag:s29], $0xD000  }
0x3d: {  	[sflag:s29] =	ssyncset.done $0x0  }
0x3e: {  	[sflag:s29] =	ssyncadd.s32 $0xFFFF3000  }
0x3f: {  	_ =	swait.ge [sflag:s30], $0xD000  }
0x40: {  	[sflag:s30] =	ssyncset.done $0x0  }
0x41: {  	s4 =	simm.s32 $0xD00;
	[sflag:s30] =	ssyncadd.s32 $0xFFFF3000  }
0x42: {  	[tilespmem:s25], [sflag:$0x1] =	stream.indirect.gather [hbm4b:s3+s24], $0x40, s4, s24, $0xb8;
	[tilespmem:$0x1D400] =	vst v63  }
0x43: {  	_ = 	snop  }
0x44: {  	[hbm4b:s8+s2] =	stream.linear.scatter [tilespmem:s28], [sflag:$0x4], $0xD000, $0x38;
	[tilespmem:$0x1D400] =	vst v63  }
0x45: {  	_ =	swait.ge [sflag:s26], $0xD000  }
0x46: {  	[sflag:s26] =	ssyncset.done $0x0  }
0x47: {  	[sflag:s26] =	ssyncadd.s32 $0xFFFF3000  }
0x48: {  	_ =	swait.ge [sflag:s0], $0xD000  }
0x49: {  	[sflag:s0] =	ssyncset.done $0x0  }
0x4a: {  	s22 =	simm.s32 $0x1040;
	[sflag:s0] =	ssyncadd.s32 $0xFFFF3000  }
0x4b: {  	[tilespmem:s28], [sflag:$0x2] =	stream.indirect.gather [hbm4b:s3+s24], $0x40, s22, s24, $0xb8;
	[tilespmem:$0x1D400] =	vst v63  }
0x4c: {  	_ = 	snop  }
0x4d: {  	[hbm4b:s9+s2] =	stream.linear.scatter [tilespmem:s25], [sflag:$0x3], $0xD000, $0x38;
	[tilespmem:$0x1D400] =	vst v63  }
0x4e: {  	_ =	swait.ge [sflag:s29], $0xD000  }
0x4f: {  	[sflag:s29] =	ssyncset.done $0x0  }
0x50: {  	[sflag:s29] =	ssyncadd.s32 $0xFFFF3000  }
0x51: {  	_ =	swait.ge [sflag:s30], $0xD000  }
0x52: {  	[sflag:s30] =	ssyncset.done $0x0  }
0x53: {  	s4 =	simm.s32 $0x1380;
	[sflag:s30] =	ssyncadd.s32 $0xFFFF3000  }
0x54: {  	[tilespmem:s25], [sflag:$0x1] =	stream.indirect.gather [hbm4b:s3+s24], $0x40, s4, s24, $0xb8;
	[tilespmem:$0x1D400] =	vst v63  }
0x55: {  	_ = 	snop  }
0x56: {  	[hbm4b:s10+s2] =	stream.linear.scatter [tilespmem:s28], [sflag:$0x4], $0xD000, $0x38;
	[tilespmem:$0x1D400] =	vst v63  }
0x57: {  	_ =	swait.ge [sflag:s26], $0xD000  }
0x58: {  	[sflag:s26] =	ssyncset.done $0x0  }
0x59: {  	[sflag:s26] =	ssyncadd.s32 $0xFFFF3000  }
0x5a: {  	_ =	swait.ge [sflag:s0], $0xD000  }
0x5b: {  	[sflag:s0] =	ssyncset.done $0x0  }
0x5c: {  	s22 =	simm.s32 $0x16C0;
	[sflag:s0] =	ssyncadd.s32 $0xFFFF3000  }
0x5d: {  	[tilespmem:s28], [sflag:$0x2] =	stream.indirect.gather [hbm4b:s3+s24], $0x40, s22, s24, $0xb8;
	[tilespmem:$0x1D400] =	vst v63  }
0x5e: {  	_ = 	snop  }
0x5f: {  	[hbm4b:s11+s2] =	stream.linear.scatter [tilespmem:s25], [sflag:$0x3], $0xD000, $0x38;
	[tilespmem:$0x1D400] =	vst v63  }
0x60: {  	_ =	swait.ge [sflag:s29], $0xD000  }
0x61: {  	[sflag:s29] =	ssyncset.done $0x0  }
0x62: {  	[sflag:s29] =	ssyncadd.s32 $0xFFFF3000  }
0x63: {  	_ =	swait.ge [sflag:s30], $0xD000  }
0x64: {  	[sflag:s30] =	ssyncset.done $0x0  }
0x65: {  	s4 =	simm.s32 $0x1A00;
	[sflag:s30] =	ssyncadd.s32 $0xFFFF3000  }
0x66: {  	[tilespmem:s25], [sflag:$0x1] =	stream.indirect.gather [hbm4b:s3+s24], $0x40, s4, s24, $0xb8;
	[tilespmem:$0x1D400] =	vst v63  }
0x67: {  	_ = 	snop  }
0x68: {  	[hbm4b:s12+s2] =	stream.linear.scatter [tilespmem:s28], [sflag:$0x4], $0xD000, $0x38;
	[tilespmem:$0x1D400] =	vst v63  }
0x69: {  	_ =	swait.ge [sflag:s26], $0xD000  }
0x6a: {  	[sflag:s26] =	ssyncset.done $0x0  }
0x6b: {  	[sflag:s26] =	ssyncadd.s32 $0xFFFF3000  }
0x6c: {  	_ =	swait.ge [sflag:s0], $0xD000  }
0x6d: {  	[sflag:s0] =	ssyncset.done $0x0  }
0x6e: {  	s22 =	simm.s32 $0x1D40;
	[sflag:s0] =	ssyncadd.s32 $0xFFFF3000  }
0x6f: {  	[tilespmem:s28], [sflag:$0x2] =	stream.indirect.gather [hbm4b:s3+s24], $0x40, s22, s24, $0xb8;
	[tilespmem:$0x1D400] =	vst v63  }
0x70: {  	_ = 	snop  }
0x71: {  	[hbm4b:s13+s2] =	stream.linear.scatter [tilespmem:s25], [sflag:$0x3], $0xD000, $0x38;
	[tilespmem:$0x1D400] =	vst v63  }
0x72: {  	_ =	swait.ge [sflag:s29], $0xD000  }
0x73: {  	[sflag:s29] =	ssyncset.done $0x0  }
0x74: {  	[sflag:s29] =	ssyncadd.s32 $0xFFFF3000  }
0x75: {  	_ =	swait.ge [sflag:s30], $0xD000  }
0x76: {  	[sflag:s30] =	ssyncset.done $0x0  }
0x77: {  	s4 =	simm.s32 $0x2080;
	[sflag:s30] =	ssyncadd.s32 $0xFFFF3000  }
0x78: {  	[tilespmem:s25], [sflag:$0x1] =	stream.indirect.gather [hbm4b:s3+s24], $0x40, s4, s24, $0xb8;
	[tilespmem:$0x1D400] =	vst v63  }
0x79: {  	_ = 	snop  }
0x7a: {  	[hbm4b:s14+s2] =	stream.linear.scatter [tilespmem:s28], [sflag:$0x4], $0xD000, $0x38;
	[tilespmem:$0x1D400] =	vst v63  }
0x7b: {  	_ =	swait.ge [sflag:s26], $0xD000  }
0x7c: {  	[sflag:s26] =	ssyncset.done $0x0  }
0x7d: {  	[sflag:s26] =	ssyncadd.s32 $0xFFFF3000  }
0x7e: {  	_ =	swait.ge [sflag:s0], $0xD000  }
0x7f: {  	[sflag:s0] =	ssyncset.done $0x0  }
0x80: {  	s22 =	simm.s32 $0x23C0;
	[sflag:s0] =	ssyncadd.s32 $0xFFFF3000  }
0x81: {  	[tilespmem:s28], [sflag:$0x2] =	stream.indirect.gather [hbm4b:s3+s24], $0x40, s22, s24, $0xb8;
	[tilespmem:$0x1D400] =	vst v63  }
0x82: {  	_ = 	snop  }
0x83: {  	[hbm4b:s15+s2] =	stream.linear.scatter [tilespmem:s25], [sflag:$0x3], $0xD000, $0x38;
	[tilespmem:$0x1D400] =	vst v63  }
0x84: {  	_ =	swait.ge [sflag:s29], $0xD000  }
0x85: {  	[sflag:s29] =	ssyncset.done $0x0  }
0x86: {  	[sflag:s29] =	ssyncadd.s32 $0xFFFF3000  }
0x87: {  	_ =	swait.ge [sflag:s30], $0xD000  }
0x88: {  	[sflag:s30] =	ssyncset.done $0x0  }
0x89: {  	s4 =	simm.s32 $0x2700;
	[sflag:s30] =	ssyncadd.s32 $0xFFFF3000  }
0x8a: {  	[tilespmem:s25], [sflag:$0x1] =	stream.indirect.gather [hbm4b:s3+s24], $0x40, s4, s24, $0xb8;
	[tilespmem:$0x1D400] =	vst v63  }
0x8b: {  	_ = 	snop  }
0x8c: {  	[hbm4b:s16+s2] =	stream.linear.scatter [tilespmem:s28], [sflag:$0x4], $0xD000, $0x38;
	[tilespmem:$0x1D400] =	vst v63  }
0x8d: {  	_ =	swait.ge [sflag:s26], $0xD000  }
0x8e: {  	[sflag:s26] =	ssyncset.done $0x0  }
0x8f: {  	[sflag:s26] =	ssyncadd.s32 $0xFFFF3000  }
0x90: {  	_ =	swait.ge [sflag:s0], $0xD000  }
0x91: {  	[sflag:s0] =	ssyncset.done $0x0  }
0x92: {  	s22 =	simm.s32 $0x2A40;
	[sflag:s0] =	ssyncadd.s32 $0xFFFF3000  }
0x93: {  	[tilespmem:s28], [sflag:$0x2] =	stream.indirect.gather [hbm4b:s3+s24], $0x40, s22, s24, $0xb8;
	[tilespmem:$0x1D400] =	vst v63  }
0x94: {  	_ = 	snop  }
0x95: {  	[hbm4b:s17+s2] =	stream.linear.scatter [tilespmem:s25], [sflag:$0x3], $0xD000, $0x38;
	[tilespmem:$0x1D400] =	vst v63  }
0x96: {  	_ =	swait.ge [sflag:s29], $0xD000  }
0x97: {  	[sflag:s29] =	ssyncset.done $0x0  }
0x98: {  	[sflag:s29] =	ssyncadd.s32 $0xFFFF3000  }
0x99: {  	_ =	swait.ge [sflag:s30], $0xD000  }
0x9a: {  	[sflag:s30] =	ssyncset.done $0x0  }
0x9b: {  	s4 =	simm.s32 $0x2D80;
	[sflag:s30] =	ssyncadd.s32 $0xFFFF3000  }
0x9c: {  	[tilespmem:s25], [sflag:$0x1] =	stream.indirect.gather [hbm4b:s3+s24], $0x40, s4, s24, $0xb8;
	[tilespmem:$0x1D400] =	vst v63  }
0x9d: {  	_ = 	snop  }
0x9e: {  	[hbm4b:s18+s2] =	stream.linear.scatter [tilespmem:s28], [sflag:$0x4], $0xD000, $0x38;
	[tilespmem:$0x1D400] =	vst v63  }
0x9f: {  	_ =	swait.ge [sflag:s26], $0xD000  }
0xa0: {  	[sflag:s26] =	ssyncset.done $0x0  }
0xa1: {  	[sflag:s26] =	ssyncadd.s32 $0xFFFF3000  }
0xa2: {  	_ =	swait.ge [sflag:s0], $0xD000  }
0xa3: {  	[sflag:s0] =	ssyncset.done $0x0  }
0xa4: {  	s22 =	simm.s32 $0x30C0;
	[sflag:s0] =	ssyncadd.s32 $0xFFFF3000  }
0xa5: {  	[tilespmem:s28], [sflag:$0x2] =	stream.indirect.gather [hbm4b:s3+s24], $0x40, s22, s24, $0xb8;
	[tilespmem:$0x1D400] =	vst v63  }
0xa6: {  	_ = 	snop  }
0xa7: {  	[hbm4b:s19+s2] =	stream.linear.scatter [tilespmem:s25], [sflag:$0x3], $0xD000, $0x38;
	[tilespmem:$0x1D400] =	vst v63  }
0xa8: {  	_ =	swait.ge [sflag:s29], $0xD000  }
0xa9: {  	[sflag:s29] =	ssyncset.done $0x0  }
0xaa: {  	s31 =	sadd.s32 $0x1, s31;
	[sflag:s29] =	ssyncadd.s32 $0xFFFF3000  }
0xab: {  	[hbm4b:s20+s2] =	stream.linear.scatter [tilespmem:s28], [sflag:$0x4], $0xD000, $0x38;
	[tilespmem:$0x1D400] =	vst v63  }
0xac: {  	p0 =	sne.s32 s31, s21;
	_ =	swait.ge [sflag:s30], $0xD000  }
.Ltmp1:
0xad: {  	[sflag:s30] =	ssyncset.done $0x0;
	(pc) =	sbr.rel @p0 .LBB2_1-.Ltmp1, $4  }
0xae: {  	[sflag:s30] =	ssyncadd.s32 $0xFFFF3000  }
0xaf: {  	_ =	swait.ge [sflag:s0], $0xD000  }
0xb0: {  	[sflag:s0] =	ssyncset.done $0x0  }
0xb1: {  	[sflag:s0] =	ssyncadd.s32 $0xFFFF3000  }
0xb2: {  	_ =	sfence.sel $0x180000  }
0xb3: {  	[bflag:$0x0] =	sbarrier.arrive $0xFFFF  }
0xb4: {  	_ =	strace $0x90000047  }
0xb5: {  	s0 =	stileid.u32;
	[bflag:$0x2] =	sbarrier.arrive $0xFFFF  }
0xb6: {  	p0 =	sne.s32 s0, $0x0;
	s0 =	rddreg [dreg:$0x2]  }
0xb7: {  	s0 =	sadd.s32 @!p0 $0x100000, s0  }
0xb8: {  	[sflag:s0] =	ssyncadd.tile.s32 @!p0 $0x1;
	_ =	shalt  }
.Lfunc_end2:
_tile_overlayer_lowered:
.L_overlay_start_2:
0xb9: {  	(tag) =	ssettag $0x2  }
0xba: {  	s0 =	rddreg [dreg:$0x0];
	s2 =	stileid.u32  }
0xbb: {  	s1 =	rddreg [dreg:$0x1];
	p0 =	sne.s32 s2, $0x0  }
0xbc: {  	s3 =	rddreg [dreg:$0x2];
	[bflag:$0x3] =	sbarrier.arrive $0xFFFF;
	s2 =	simm.s32 @!p0 $0x1C05  }
0xbd: {  	[timem:s3], [sflag:s2] =	dma.local @!p0 [hbm:s0], s1  }
0xbe: {  	s0 =	simm.s32 @!p0 $0x5  }
0xbf: {  	_ =	swait.ge @!p0 [sflag:s0], s1  }
0xc0: {  	s1 =	ssub.s32 @!p0 $0x0, s1;
	[sflag:s0] =	ssyncset.done @!p0 $0x0  }
0xc1: {  	[sflag:s0] =	ssyncadd.s32 @!p0 s1  }
0xc2: {  	[bflag:$0x3] =	sbarrier.arrive $0xFFFF  }
0xc3: {  	_ =	shalt  }

// kernel: sparse-core-data-format-call.cloned.1.call-start
scs
called_computation_lowered:
.L_overlay_start_0:
0x0: {  	s2 =	sld [smem:$0x3FD9]  }
0x1: {  	s3 =	sld [smem:$0x3FFE];
	_ =	sdelay $0x1  }
0x2: {  	s1 =	srdreg.scid  }
0x3: {  	s0 =	sand.u32 $0x1, s1  }
0x4: {  	s18 =	sshll.u32 s0, $0xA;
	s2 =	sadd.s32 s3, s2  }
0x5: {  	s2 =	sadd.s32 s2, s18  }
0x6: {  	[smem:$0x3FC6] =	sst s2  }
0x7: {  	_ = 	snop  }
0x8: {  	s2 =	sld [smem:$0x3FD0];
	(tm) =	ssettm $0x1  }
0x9: {  	s19 =	sld [smem:$0x3FFB];
	_ =	sdelay $0x3  }
0xa: {  	_ =	strace s19  }
0xb: {  	s3 =	sld [smem:$0x3FFC];
	_ =	sdelay $0x3  }
0xc: {  	_ =	strace s3  }
0xd: {  	s3 =	sld [smem:$0x3FFD];
	_ =	sdelay $0x3  }
0xe: {  	_ =	strace s3  }
0xf: {  	_ =	strace $0x8FFFFFFF  }
0x10: {  	s20 =	sld [smem:$0x3FDB];
	_ =	sdelay $0x1  }
0x11: {  	s4 =	simm.s32 $_scs_section_size  }
0x12: {  	s5 =	simm.s32 $_size__tile_overlayer_lowered;
	s6 =	simm.s32 $_tile_overlayer_lowered  }
0x13: {  	s23 =	simm.s32 $0x1BFF;
	s22 =	sshll.u32 s6, $0x1;
	s3 =	sadd.s32 s4, s20  }
0x14: {  	s7 =	simm.s32 $0x0;
	s21 =	sshll.u32 s5, $0x1;
	s5 =	sadd.s32 s22, s3  }
0x15: {  	[timem:s7], [sflag:s23] =	dma.local [hbm:s5], s21  }
0x16: {  	_ =	swait.ge [sflag:s23], s21  }
0x17: {  	s4 =	ssub.s32 $0x0, s21;
	[sflag:s23] =	ssyncset.done $0x0  }
0x18: {  	[sflag:s23] =	ssyncadd.s32 s4;
	_ =	sdelay $0x1  }
0x19: {  	s24 =	simm.s32 $0x1B8B  }
0x1a: {  	_ =	swait.ge [sflag:s24], $0x1  }
0x1b: {  	[sflag:s24] =	ssyncset.done $0x0  }
0x1c: {  	s26 =	simm.s32 $0x1B8E;
	s25 =	sld [smem:$0x3FFE];
	[sflag:s24] =	ssyncadd.s32 $0xFFFFFFFF  }
0x1d: {  	s27 =	simm.s32 $execute0_lowered;
	[smem:$0x3FD2] =	sst s26  }
0x1e: {  	s5 =	sshll.u32 s27, $0x1;
	_ =	strace $0x80000049;
	[dreg:$0x1] =	wrdreg $0xFFFFFFFF  }
0x1f: {  	s28 =	simm.s32 $_size_execute0_lowered;
	s3 =	sadd.s32 s3, s5;
	[dreg:$0x0] =	wrdreg $0x0  }
0x20: {  	s5 =	sshll.u32 s28, $0x1;
	[dreg:$0x2] =	wrdreg s3  }
0x21: {  	[dreg:$0x3] =	wrdreg s5  }
0x22: {  	[dreg:$0x4] =	wrdreg $0xC0  }
0x23: {  	_ =	task [dreg:s7], $0x5FFFF  }
0x24: {  	[dreg:$0x1] =	wrdreg $0xFFFFFFFF  }
0x25: {  	[dreg:$0x0] =	wrdreg $0x60  }
0x26: {  	[dreg:$0x2] =	wrdreg s25  }
0x27: {  	[dreg:$0x3] =	wrdreg s2  }
0x28: {  	[dreg:$0x4] =	wrdreg $0x9  }
0x29: {  	_ =	task.clear_ibuf [dreg:s7], $0x5FFFF;
	_ =	strace $0x90000049  }
0x2a: {  	s29 =	simm.s32 $0x9;
	_ =	strace $0x8000004B  }
0x2b: {  	_ =	swait.ge [sflag:s29], $0x1  }
0x2c: {  	[sflag:s29] =	ssyncadd.s32 $0xFFFFFFFF  }
0x2d: {  	_ =	strace $0x9000004B  }
0x2e: {  	_ =	sfence  }
0x2f: {  	s30 =	sld [smem:$0x0];
	_ =	sdelay $0x2  }
0x30: {  	s31 =	sshll.u32 s1, $0xD;
	s1 =	sshrl.u32 s1, $0x2  }
0x31: {  	s3 =	sand.u32 $0x4000, s31;
	s1 =	sadd.s32 s1, s30  }
0x32: {  	s0 =	sor.u32 s3, s0;
	s1 =	sshll.u32 s1, $0x11  }
0x33: {  	s0 =	sor.u32 s1, s0  }
0x34: {  	s0 =	sadd.s32 $0x8F2B, s0  }
0x35: {  	[sflag:s0] =	ssyncadd.remote.s32 $0x1  }
0x36: {  	_ =	sfence.sel $0xFFFF  }
0x37: {  	[dreg:$0x0] =	wrdreg $0xFFFFFFFF;
	(pc) =	sbr.abs _section_cstart, $3  }
0x38: {  	[dreg:$0x1] =	wrdreg $0xFFFFFFFF  }
0x39: {  	_ =	task.clear_ibuf [dreg:s7], $0x2FFFF;
	_ =	strace $0x9FFFFFFF  }
0x3a: {  	(tm) =	ssettm $0x7FFFFFFF  }
0x3b: {  	_ =	shalt  }
tec
execute0_lowered:
.L_overlay_start_1:
0x0: {  	(tag) =	ssettag $0x1  }
0x1: {  	s0 =	srdreg.scid  }
0x2: {  	s1 =	sshll.u32 s0, $0x4  }
0x3: {  	s0 =	stileid.u32;
	s1 =	sand.u32 $0x10, s1  }
0x4: {  	s7 =	rddreg [dreg:$0x0];
	s1 =	sor.u32 s0, s1  }
0x5: {  	s4 =	simm.s32 $0x1;
	s8 =	simm.s32 $0x2;
	s2 =	sshll.u32 s1, $0x7  }
0x6: {  	s13 =	simm.s32 $0x0;
	s9 =	simm.s32 $0x20000;
	s1 =	ssub.s32 $0x4000, s2  }
0x7: {  	s14 =	simm.s32 $0x0;
	s11 =	simm.s32 $0x0;
	s3 =	sand.u32 $0xF80, s1  }
0x8: {  	s12 =	simm.s32 $0x0;
	s5 =	sshrl.u32 s1, $0xC;
	p0 =	sne.s32 s3, $0x0  }
.Ltmp0:
0x9: {  	s1 =	rddreg [dreg:$0x2];
	s4 =	simm.s32 @!p0 $0x0;
	(pc) =	sbr.rel .LBB1_1-.Ltmp0, $4  }
0xa: {  	s6 =	sadd.s32 $0xA00, s7;
	s3 =	rddreg [dreg:$0x1];
	s5 =	sadd.s32 s4, s5  }
0xb: {  	_ =	strace $0x8000004A;
	s4 =	simm.s32 $0x1;
	s5 =	smul.u32 $0xD, s5  }
0xc: {  	s7 =	sadd.s32 $0x40A00, s7;
	s10 =	smov.u32 s2;
	[sflag:s4] =	ssyncpa.u1 $0x0  }
0xd: {  	p0 =	por $0x0, $0x0;
	[sflag:s8] =	ssyncpa.u1 $0x0;
	s8 =	sadd.s32 $0x1, s5  }
.LBB1_7:
0xe: {  	s15 =	sadd.s32 $0x1000, s10  }
0xf: {  	s13 =	sadd.s32 $0x2, s11;
	s17 =	smov.u32 s11;
	p2 =	sgt.s32 s15, $0x3FFF  }
0x10: {  	s17 =	smov.u32 @p2 s13  }
0x11: {  	s15 =	smov.u32 @p2 s2;
	p2 =	sgt.s32 s17, $0x19  }
0x12: {  	s17 =	simm.s32 @p2 $0x0;
	p2 =	sne.s32 s12, s8  }
.Ltmp1:
0x13: {  	p1 =	slt.u32 s12, $0x2;
	(pc) =	sbr.rel @!p2 .LBB1_8-.Ltmp1, $4  }
0x14: {  	s16 =	simm.s32 @!p1 $0x2  }
0x15: {  	s14 =	smov.u32 s11;
	p0 =	por !p0, !p0;
	_ =	swait.ge @!p1 [sflag:s16], $0x4000  }
0x16: {  	s13 =	smov.u32 s10;
	[sflag:s16] =	ssyncset.done @!p1 $0x0;
	s10 =	smov.u32 s15  }
0x17: {  	s12 =	sadd.s32 $0x1, s12;
	[sflag:s16] =	ssyncadd.s32 @!p1 $0xFFFFC000;
	s11 =	smov.u32 s17  }
.LBB1_1:
0x18: {  	p1 =	sge.u32 s12, s5  }
0x19: {  	s15 =	sxor.u32 @!p1 $0xFFFFFFFF, s12;
	s16 =	sshll.u32 @!p1 s11, $0x12  }
0x1a: {  	s17 =	sshll.u32 @!p1 s10, $0x4;
	s19 =	simm.s32 @!p1 $0x40;
	s20 =	simm.s32 @!p1 $0x80  }
0x1b: {  	s15 =	sshll.u32 @!p1 s15, $0xE;
	s17 =	sand.u32 @!p1 $0x3FFF0, s17;
	s18 =	sadd.s32 @!p1 s6, s16  }
0x1c: {  	s16 =	sadd.s32 @!p1 s16, s7;
	s15 =	sand.u32 @!p1 $0x4000, s15;
	s18 =	sadd.s32 @!p1 s17, s18  }
0x1d: {  	[tilespmem:s15], [sflag:$0x1] =	stream.strided.gather @!p1 [hbm4b:s18+s19], $0x2000, s20, s19, $0x38;
	[tilespmem:$0x10100] =	vst v63  }
0x1e: {  	s31 =	sadd.s32 $0xFFFFFFFF, s12;
	s16 =	sadd.s32 @!p1 s17, s16;
	s15 =	sor.u32 @!p1 $0x2000, s15  }
0x1f: {  	[tilespmem:s15], [sflag:$0x1] =	stream.strided.gather @!p1 [hbm4b:s16+s19], $0x2000, s20, s19, $0x38;
	[tilespmem:$0x10100] =	vst v63  }
0x20: {  	p1 =	sge.u32 s31, s5  }
.Ltmp2:
0x21: {  	_ = 	snop;
	(pc) =	sbr.rel @p1 .LBB1_7-.Ltmp2, $1  }
0x22: {  	_ =	sdelay $0x3  }
0x23: {  	s15 =	simm.s32 $0x1;
	s17 =	sand.u32 $0x1, s12  }
0x24: {  	_ =	swait.ge [sflag:s4], $0x4000;
	s15 =	simm.s32 @!p0 $0x0;
	s17 =	smul.u32 $0x10200, s17  }
0x25: {  	p2 =	por $0x1, $0x1;
	[sflag:s4] =	ssyncset.done $0x0;
	s16 =	smul.u32 $0x10200, s15  }
0x26: {  	s18 =	sshll.u32 s15, $0x10;
	[sflag:s4] =	ssyncadd.s32 $0xFFFFC000;
	s30 =	sshrl.u32 s17, $0x2  }
0x27: {  	s31 =	sshrl.u32 s18, $0x2;
	s18 =	simm.s32 $0x0;
	s16 =	sshrl.u32 s16, $0x2  }
0x28: {  	s15 =	sor.u32 $0x8000, s30;
	s17 =	sadd.s32 $0x20, s31;
	s16 =	sor.u32 $0x8000, s16  }
.LBB1_3:
0x29: {  	s19 =	sshll.u32 s18, $0xD  }
0x2a: {  	s19 =	sand.u32 $0x3FFFE000, s19  }
0x2b: {  	s21 =	sadd.s32 s19, s17  }
0x2c: {  	s31 =	smul.u32 $0x8100, s18;
	v3 =	vld [tilespmem:s21+$0x10]  }
0x2d: {  	v1 =	vld [tilespmem:s21+$0xFFFFFFF0]  }
0x2e: {  	s18 =	sshra.s32 s31, $0x2;
	v0 =	vld [tilespmem:s21+$0x0]  }
0x2f: {  	s18 =	sadd.s32 s18, s16;
	v2 =	vld [tilespmem:s21+$0xFFFFFFE0]  }
0x30: {  	s19 =	sadd.s32 $0x0, s18  }
0x31: {  	p1 =	por p2, p2;
	s20 =	simm.s32 $0x4;
	s21 =	sadd.s32 $0x40, s21;
	[tilespmem:s19+$0x1830 ss:$0x81] =	vst.msk $0xffff, v3  }
.LBB1_4:
0x32: {  	v3 =	vld [tilespmem:s21+$0x10];
	p2 =	sne.s32 s20, $0x1FC;
	[tilespmem:s19+$0x810 ss:$0x81] =	vst.msk $0xffff, v1;
	s22 =	smov.u32 s20;
	s20 =	sadd.s32 $0x4, s20  }
.Ltmp3:
0x33: {  	v1 =	vld [tilespmem:s21+$0xFFFFFFF0];
	[tilespmem:s19+$0x1020 ss:$0x81] =	vst.msk $0xffff, v0;
	(pc) =	sbr.rel @p2 .LBB1_4-.Ltmp3, $4  }
0x34: {  	v0 =	vld [tilespmem:s21+$0x0];
	[tilespmem:s19+$0x0 ss:$0x81] =	vst.msk $0xffff, v2  }
0x35: {  	s19 =	sshra.s32 s22, $0x2;
	v2 =	vld [tilespmem:s21+$0xFFFFFFE0]  }
0x36: {  	s19 =	sadd.s32 s19, s18  }
0x37: {  	s21 =	sadd.s32 $0x40, s21;
	[tilespmem:s19+$0x1830 ss:$0x81] =	vst.msk $0xffff, v3  }
.Ltmp4:
0x38: {  	(pc) =	sbr.rel @p1 .LBB1_3-.Ltmp4, $4  }
0x39: {  	_ = 	snop  }
0x3a: {  	[tilespmem:s19+$0x810 ss:$0x81] =	vst.msk $0xffff, v1  }
0x3b: {  	[tilespmem:s19+$0x1020 ss:$0x81] =	vst.msk $0xffff, v0  }
0x3c: {  	s18 =	simm.s32 $0x1;
	p2 =	por $0x0, $0x0;
	[tilespmem:s19+$0x0 ss:$0x81] =	vst.msk $0xffff, v2  }
0x3d: {  	s16 =	sshll.u32 s13, $0x3;
	s17 =	sand.u32 $0x78, s13;
	s14 =	sshll.u32 s14, $0x11  }
.Ltmp5:
0x3e: {  	s30 =	sand.u32 $0x1F800, s13;
	s16 =	sand.u32 $0x3C00, s16;
	(pc) =	sbr.rel .LBB1_7-.Ltmp5, $4  }
0x3f: {  	s31 =	sand.u32 $0x7, s13;
	s14 =	sadd.s32 s3, s14;
	s16 =	sor.u32 s17, s16  }
0x40: {  	s13 =	sshll.u32 s31, $0x12;
	s14 =	sadd.s32 s30, s14;
	s16 =	sshrl.u32 s16, $0x3  }
0x41: {  	s13 =	sor.u32 $0x400, s13;
	s14 =	sadd.s32 s16, s14  }
0x42: {  	[hbm4b:s14+s13] =	stream.strided.scatter [tilespmem:s15], [sflag:$0x2], $0x4000, s9, s13, $0x20;
	[tilespmem:$0x10100] =	vst v63  }
.LBB1_8:
0x43: {  	_ =	sfence.sel $0x180000  }
0x44: {  	s2 =	simm.s32 $0x1;
	[bflag:$0x0] =	sbarrier.arrive $0xFFFF  }
0x45: {  	s31 =	simm.s32 $0x2;
	[sflag:s2] =	ssyncpa.u1 $0x1  }
0x46: {  	[sflag:s31] =	ssyncpa.u1 $0x1  }
0x47: {  	p0 =	sne.s32 s0, $0x0;
	_ =	strace $0x9000004A  }
0x48: {  	s0 =	sadd.s32 @!p0 $0x100000, s1;
	[bflag:$0x2] =	sbarrier.arrive $0xFFFF  }
0x49: {  	[sflag:s0] =	ssyncadd.tile.s32 @!p0 $0x1;
	_ =	shalt  }
.Lfunc_end1:
_tile_overlayer_lowered:
.L_overlay_start_2:
0x4a: {  	(tag) =	ssettag $0x2  }
0x4b: {  	s0 =	rddreg [dreg:$0x0];
	s2 =	stileid.u32  }
0x4c: {  	s1 =	rddreg [dreg:$0x1];
	p0 =	sne.s32 s2, $0x0  }
0x4d: {  	s3 =	rddreg [dreg:$0x2];
	[bflag:$0x3] =	sbarrier.arrive $0xFFFF;
	s2 =	simm.s32 @!p0 $0x1C01  }
0x4e: {  	[timem:s3], [sflag:s2] =	dma.local @!p0 [hbm:s0], s1  }
0x4f: {  	s0 =	simm.s32 @!p0 $0x1  }
0x50: {  	_ =	swait.ge @!p0 [sflag:s0], s1  }
0x51: {  	s1 =	ssub.s32 @!p0 $0x0, s1;
	[sflag:s0] =	ssyncset.done @!p0 $0x0  }
0x52: {  	[sflag:s0] =	ssyncadd.s32 @!p0 s1  }
0x53: {  	[bflag:$0x3] =	sbarrier.arrive $0xFFFF  }
0x54: {  	_ =	shalt  }

</sc_bundles>
